<compile_context>
chip_gen: v7x
topology: tpu7x:2x2x1
jax: 0.10.2.dev20260603
libtpu: 0.0.44.dev20260713+nightly
codegen_flags: <defaults>
</compile_context>

<pallas_src>
import functools

import jax
import jax.numpy as jnp
from jax import lax
from jax.experimental import pallas as pl
from jax.experimental.pallas import tpu as pltpu
from jax.experimental.pallas import tpu_sc as plsc

NC = 2
NS = 16
NW = NC * NS
B = 128


def _scatter_sc(width, nch, n_pad):
    rpt = n_pad // NS
    mesh = plsc.VectorSubcoreMesh(core_axis_name="c", subcore_axis_name="s")

    @functools.partial(
        pl.kernel,
        out_type=jax.ShapeDtypeStruct((NC, n_pad, width), jnp.float32),
        mesh=mesh,
        compiler_params=pltpu.CompilerParams(use_tc_tiling_on_sc=(width % 128 == 0)),
        scratch_types=[
            pltpu.VMEM((nch, B), jnp.int32),
            pltpu.VMEM((nch, B), jnp.int32),
            pltpu.VMEM((B, width), jnp.float32),
            pltpu.VMEM_SHARED((n_pad, width), jnp.float32),
            pltpu.SemaphoreType.DMA,
        ],
    )
    def sc_kernel(src_hbm, dst_hbm, vals_hbm, out_hbm, src_v, dst_v, rows_v, acc_sh, sem):
        c = lax.axis_index("c")
        s = lax.axis_index("s")
        wid = c * NS + s

        zeros16 = jnp.zeros((16,), jnp.float32)

        @pl.loop(0, B)
        def _(i):
            for k in range(width // 16):
                rows_v[i, pl.ds(k * 16, 16)] = zeros16

        @pl.loop(0, rpt // B)
        def _(j):
            pltpu.sync_copy(rows_v, acc_sh.at[pl.ds(s * rpt + j * B, B)])

        plsc.subcore_barrier()

        pltpu.sync_copy(src_hbm.at[wid], src_v)
        pltpu.sync_copy(dst_hbm.at[wid], dst_v)

        @pl.loop(0, nch)
        def _(j):
            pltpu.async_copy(vals_hbm.at[src_v.at[j]], rows_v, sem).wait()
            pltpu.sync_copy(rows_v, acc_sh.at[dst_v.at[j]], add=True)

        plsc.subcore_barrier()

        @pl.loop(0, rpt // B)
        def _(j):
            r = s * rpt + j * B
            pltpu.sync_copy(acc_sh.at[pl.ds(r, B)], out_hbm.at[c].at[pl.ds(r, B)])

    return sc_kernel


def _deg_sc(nch, n_pad):
    width = 16
    rpt = n_pad // NS
    mesh = plsc.VectorSubcoreMesh(core_axis_name="c", subcore_axis_name="s")

    @functools.partial(
        pl.kernel,
        out_type=jax.ShapeDtypeStruct((NC, n_pad, width), jnp.float32),
        mesh=mesh,
        scratch_types=[
            pltpu.VMEM((nch, B), jnp.int32),
            pltpu.VMEM((B, width), jnp.float32),
            pltpu.VMEM_SHARED((n_pad, width), jnp.float32),
        ],
    )
    def deg_kernel(dst_hbm, out_hbm, dst_v, ones_v, acc_sh):
        c = lax.axis_index("c")
        s = lax.axis_index("s")
        wid = c * NS + s

        zeros16 = jnp.zeros((16,), jnp.float32)

        @pl.loop(0, B)
        def _(i):
            ones_v[i, pl.ds(0, 16)] = zeros16

        @pl.loop(0, rpt // B)
        def _(j):
            pltpu.sync_copy(ones_v, acc_sh.at[pl.ds(s * rpt + j * B, B)])

        ones16 = jnp.ones((16,), jnp.float32)

        @pl.loop(0, B)
        def _(i):
            ones_v[i, pl.ds(0, 16)] = ones16

        plsc.subcore_barrier()

        pltpu.sync_copy(dst_hbm.at[wid], dst_v)

        @pl.loop(0, nch)
        def _(j):
            pltpu.sync_copy(ones_v, acc_sh.at[dst_v.at[j]], add=True)

        plsc.subcore_barrier()

        @pl.loop(0, rpt // B)
        def _(j):
            r = s * rpt + j * B
            pltpu.sync_copy(acc_sh.at[pl.ds(r, B)], out_hbm.at[c].at[pl.ds(r, B)])

    return deg_kernel


def _tc1_body(x0_ref, x1_ref, w1a_ref, w1b_ref, degp_ref, zs_ref, dinv_ref):
    h = w1a_ref.shape[1]
    deg = degp_ref[0, :, 0:1] + degp_ref[1, :, 0:1] + 1.0
    dinv = lax.rsqrt(deg)
    z0 = jnp.dot(x0_ref[...], w1a_ref[...], preferred_element_type=jnp.float32)
    z1 = jnp.dot(x1_ref[...], w1b_ref[...], preferred_element_type=jnp.float32)
    zs_ref[:, :h] = z0 * dinv
    zs_ref[:, h:] = z1 * dinv
    dinv_ref[...] = dinv


def _tc2_body(p_ref, zs_ref, dinv_ref, b1_ref, w2_ref, gs_ref):
    dinv = dinv_ref[...]
    pre = (p_ref[0] + p_ref[1] + zs_ref[...]) * dinv + b1_ref[...]
    hid = jnp.maximum(pre, 0.0)
    g = jnp.dot(hid, w2_ref[...], preferred_element_type=jnp.float32)
    gs_ref[...] = g * dinv


def _tc3_body(q_ref, gs_ref, dinv_ref, b2_ref, out_ref):
    o = (q_ref[0] + q_ref[1] + gs_ref[...]) * dinv_ref[...] + b2_ref[...]
    m = jnp.max(o, axis=1, keepdims=True)
    e = jnp.exp(o - m)
    lse = jnp.log(jnp.sum(e, axis=1, keepdims=True)) + m
    out_ref[...] = o - lse


def kernel(x0, x1, edge_index, W1a, b1a, W1b, b1b, W2, b2):
    n, d = x0.shape
    e = edge_index.shape[1]
    h = W1a.shape[1]
    c_out = W2.shape[1]

    n_pad = ((n + 1 + NS * B - 1) // (NS * B)) * (NS * B)
    e_pad = ((e + NW * B - 1) // (NW * B)) * (NW * B)
    nch = e_pad // (NW * B)

    src = edge_index[0]
    dst = edge_index[1]
    pad = e_pad - e
    srcp = jnp.concatenate([src, jnp.zeros((pad,), jnp.int32)]).reshape(NW, nch, B)
    dstp = jnp.concatenate([dst, jnp.full((pad,), n, jnp.int32)]).reshape(NW, nch, B)

    x0p = jnp.zeros((n_pad, d), jnp.float32).at[:n].set(x0)
    x1p = jnp.zeros((n_pad, d), jnp.float32).at[:n].set(x1)
    b1 = jnp.concatenate([b1a, b1b]).reshape(1, 2 * h)
    b2r = b2.reshape(1, c_out)

    degp = _deg_sc(nch, n_pad)(dstp)

    zs, dinv = pl.pallas_call(
        _tc1_body,
        out_shape=(
            jax.ShapeDtypeStruct((n_pad, 2 * h), jnp.float32),
            jax.ShapeDtypeStruct((n_pad, 1), jnp.float32),
        ),
    )(x0p, x1p, W1a, W1b, degp)

    p = _scatter_sc(2 * h, nch, n_pad)(srcp, dstp, zs)

    gs = pl.pallas_call(
        _tc2_body,
        out_shape=jax.ShapeDtypeStruct((n_pad, c_out), jnp.float32),
    )(p, zs, dinv, b1, W2)

    q = _scatter_sc(c_out, nch, n_pad)(srcp, dstp, gs)

    out = pl.pallas_call(
        _tc3_body,
        out_shape=jax.ShapeDtypeStruct((n_pad, c_out), jnp.float32),
    )(q, gs, dinv, b2r)

    return out[:n]

# --- scband reference (transcript-rebuilt; emitter-appended) ---
"""Pipeline reference for scband-brfegnn-56642028700085 (READ-ONLY COPY).

The authoritative reference and input builder live on the scoring server;
editing this copy changes nothing except your own understanding.
"""

import jax, jax.numpy as jnp
import numpy as np

N = 10000
E = 320000
D = 128
H = 64
C = 32


def setup_inputs(seed: int = 0) -> dict:
    key = jax.random.key(seed)
    ks = jax.random.split(key, 10)
    x0 = jax.random.normal(ks[0], (N, D), dtype=jnp.float32)
    x1 = jax.random.normal(ks[1], (N, D), dtype=jnp.float32)
    edge_index = jax.random.randint(ks[2], (2, E), 0, N, dtype=jnp.int32)
    W1a = jax.random.normal(ks[3], (D, H), dtype=jnp.float32) * (1.0 / np.sqrt(D))
    b1a = jnp.zeros((H,), dtype=jnp.float32)
    W1b = jax.random.normal(ks[4], (D, H), dtype=jnp.float32) * (1.0 / np.sqrt(D))
    b1b = jnp.zeros((H,), dtype=jnp.float32)
    W2 = jax.random.normal(ks[5], (2 * H, C), dtype=jnp.float32) * (1.0 / np.sqrt(2 * H))
    b2 = jnp.zeros((C,), dtype=jnp.float32)
    return {"x0": x0, "x1": x1, "edge_index": edge_index,
            "W1a": W1a, "b1a": b1a, "W1b": W1b, "b1b": b1b, "W2": W2, "b2": b2}


def _gcn_conv(x, src, dst, W, b, num_nodes):
    # PyG GCNConv: add self-loops, symmetric normalization, linear, scatter-add aggregate, + bias
    h = x @ W
    loop = jnp.arange(num_nodes, dtype=src.dtype)
    s = jnp.concatenate([src, loop])
    d = jnp.concatenate([dst, loop])
    deg = jnp.zeros((num_nodes,), jnp.float32).at[d].add(1.0)
    dinv = jnp.where(deg > 0, jax.lax.rsqrt(deg), 0.0)
    norm = dinv[s] * dinv[d]
    msg = h[s] * norm[:, None]
    out = jnp.zeros((num_nodes, h.shape[1]), h.dtype).at[d].add(msg)
    return out + b


def reference(x0, x1, edge_index, W1a, b1a, W1b, b1b, W2, b2):
    # BRFEGNN forward, eval mode (dropout = identity), plus='gnn-par', layer_num=2
    src = edge_index[0]
    dst = edge_index[1]
    h0 = jax.nn.relu(_gcn_conv(x0, src, dst, W1a, b1a, N))
    h1 = jax.nn.relu(_gcn_conv(x1, src, dst, W1b, b1b, N))
    h = jnp.concatenate([h0, h1], axis=-1)
    out = _gcn_conv(h, src, dst, W2, b2, N)
    return jax.nn.log_softmax(out, axis=-1)

if __name__ == "__main__":
    import jax
    _d = setup_inputs()
    print(jax.jit(kernel)(*tuple(_d.values())))

</pallas_src>

<mosaic_0001>
#map = affine_map<(d0, d1) -> (0, 0, 0)>
module attributes {stable_mosaic.version = 14 : i64} {
  func.func @deg_kernel(%arg0: i32, %arg1: i32, %arg2: memref<32x79x128xi32, #tpu.memory_space<hbm>>, %arg3: memref<2x10240x16xf32, #tpu.memory_space<hbm>>, %arg4: memref<79x128xi32, #tpu.memory_space<vmem>>, %arg5: memref<128x16xf32, #tpu.memory_space<vmem>>, %arg6: memref<10240x16xf32, #tpu.memory_space<vmem_shared>>) attributes {dimension_semantics = [#tpu.dimension_semantics<core_parallel>, #tpu.dimension_semantics<subcore_parallel>], iteration_bounds = array<i64: 2, 16>, scalar_prefetch = 0 : i64, scratch_operands = 3 : i64, tpu.core_type = #tpu.core_type<sc_vector_subcore>, window_params = [{transform_indices = #map}, {transform_indices = #map}]} {
    %mul3A = arith.constant 16 : i32
    %mul3A_0 = arith.muli %arg0, %mul3A : i32
    %add3A = arith.addi %mul3A_0, %arg1 : i32
    %broadcast_in_dim3A = arith.constant 0.000000e+00 : f32
    %broadcast_in_dim3A_1 = vector.broadcast %broadcast_in_dim3A : f32 to vector<16xf32>
    %scan3A = arith.constant 0 : i32
    %scan3A_2 = arith.constant 128 : i32
    %scan3A_3 = arith.addi %scan3A, %scan3A_2 : i32
    %scan3A_4 = arith.constant 1 : i32
    scf.for %scan3A_29 = %scan3A to %scan3A_3 step %scan3A_4  : i32 {
      %mul3A_30 = arith.constant 1 : i32
      %mul3A_31 = arith.muli %scan3A_29, %mul3A_30 : i32
      %add3A_32 = arith.constant 0 : i32
      %add3A_33 = arith.addi %add3A_32, %mul3A_31 : i32
      %swap3A = arith.index_cast %add3A_33 : i32 to index
      %swap3A_34 = arith.constant 0 : index
      %swap3A_35 = tpu.vector_load %arg5[%swap3A, %swap3A_34] {strides = array<i32>} : memref<128x16xf32, #tpu.memory_space<vmem>>, vector<1x16xf32>,
      %swap3A_36 = vector.shape_cast %swap3A_35 : vector<1x16xf32> to vector<16xf32>
      %swap3A_37 = vector.shape_cast %broadcast_in_dim3A_1 : vector<16xf32> to vector<1x16xf32>
      tpu.vector_store %arg5[%swap3A, %swap3A_34], %swap3A_37 {strides = array<i32>} : memref<128x16xf32, #tpu.memory_space<vmem>>, vector<1x16xf32>,
    }
    %scan3A_5 = arith.constant 128 : i32
    %scan3A_6 = arith.constant 0 : i32
    %scan3A_7 = arith.constant 5 : i32
    %scan3A_8 = arith.addi %scan3A_6, %scan3A_7 : i32
    %scan3A_9 = arith.constant 1 : i32
    scf.for %scan3A_29 = %scan3A_6 to %scan3A_8 step %scan3A_9  : i32 {
      %mul3A_30 = arith.constant 1 : i32
      %mul3A_31 = arith.muli %scan3A_29, %mul3A_30 : i32
      %add3A_32 = arith.constant 0 : i32
      %add3A_33 = arith.addi %add3A_32, %mul3A_31 : i32
      %mul3A_34 = arith.constant 640 : i32
      %mul3A_35 = arith.muli %arg1, %mul3A_34 : i32
      %mul3A_36 = arith.constant 128 : i32
      %mul3A_37 = arith.muli %add3A_33, %mul3A_36 : i32
      %add3A_38 = arith.addi %mul3A_35, %mul3A_37 : i32
      "tpu.region"() ({
        %run_scoped3A = tpu.sem_alloc : memref<!tpu.dma_semaphore, #tpu.memory_space<semaphore_mem>>
        %dma_start3A = arith.constant 0 : i32
        %dma_start3A_39 = tpu.memref_slice %arg6[%add3A_38, %dma_start3A] : memref<10240x16xf32, #tpu.memory_space<vmem_shared>> -> memref<128x16xf32, #tpu.memory_space<vmem_shared>>
        %dma_start3A_40 = arith.constant 0 : i32
        %dma_start3A_41 = tpu.memref_slice %arg6[%add3A_38, %dma_start3A_40] : memref<10240x16xf32, #tpu.memory_space<vmem_shared>> -> memref<128x16xf32, #tpu.memory_space<vmem_shared>>
        tpu.enqueue_dma source(%arg5 : memref<128x16xf32, #tpu.memory_space<vmem>>) target(%dma_start3A_41 : memref<128x16xf32, #tpu.memory_space<vmem_shared>>) target_semaphore(%run_scoped3A : memref<!tpu.dma_semaphore, #tpu.memory_space<semaphore_mem>>)
        %dma_wait3A = arith.constant 0 : i32
        %dma_wait3A_42 = tpu.memref_slice %arg6[%add3A_38, %dma_wait3A] : memref<10240x16xf32, #tpu.memory_space<vmem_shared>> -> memref<128x16xf32, #tpu.memory_space<vmem_shared>>
        %dma_wait3A_43 = arith.constant 0 : i32
        %dma_wait3A_44 = tpu.memref_slice %arg6[%add3A_38, %dma_wait3A_43] : memref<10240x16xf32, #tpu.memory_space<vmem_shared>> -> memref<128x16xf32, #tpu.memory_space<vmem_shared>>
        tpu.wait_dma2 semaphore(%run_scoped3A : memref<!tpu.dma_semaphore, #tpu.memory_space<semaphore_mem>>) src(%arg5 : memref<128x16xf32, #tpu.memory_space<vmem>>) dst(%dma_wait3A_44 : memref<128x16xf32, #tpu.memory_space<vmem_shared>>)
        tpu.yield
      }) : () -> ()
    }
    %scan3A_10 = arith.constant 5 : i32
    %broadcast_in_dim3A_11 = arith.constant 1.000000e+00 : f32
    %broadcast_in_dim3A_12 = vector.broadcast %broadcast_in_dim3A_11 : f32 to vector<16xf32>
    %scan3A_13 = arith.constant 0 : i32
    %scan3A_14 = arith.constant 128 : i32
    %scan3A_15 = arith.addi %scan3A_13, %scan3A_14 : i32
    %scan3A_16 = arith.constant 1 : i32
    scf.for %scan3A_29 = %scan3A_13 to %scan3A_15 step %scan3A_16  : i32 {
      %mul3A_30 = arith.constant 1 : i32
      %mul3A_31 = arith.muli %scan3A_29, %mul3A_30 : i32
      %add3A_32 = arith.constant 0 : i32
      %add3A_33 = arith.addi %add3A_32, %mul3A_31 : i32
      %swap3A = arith.index_cast %add3A_33 : i32 to index
      %swap3A_34 = arith.constant 0 : index
      %swap3A_35 = tpu.vector_load %arg5[%swap3A, %swap3A_34] {strides = array<i32>} : memref<128x16xf32, #tpu.memory_space<vmem>>, vector<1x16xf32>,
      %swap3A_36 = vector.shape_cast %swap3A_35 : vector<1x16xf32> to vector<16xf32>
      %swap3A_37 = vector.shape_cast %broadcast_in_dim3A_12 : vector<16xf32> to vector<1x16xf32>
      tpu.vector_store %arg5[%swap3A, %swap3A_34], %swap3A_37 {strides = array<i32>} : memref<128x16xf32, #tpu.memory_space<vmem>>, vector<1x16xf32>,
    }
    %scan3A_17 = arith.constant 128 : i32
    %barrier3A = arith.constant 0 : index
    tpu.barrier barrier_id(%barrier3A)
    "tpu.region"() ({
      %run_scoped3A = tpu.sem_alloc : memref<!tpu.dma_semaphore, #tpu.memory_space<semaphore_mem>>
      %dma_start3A = arith.constant 0 : i32
      %dma_start3A_29 = arith.constant 0 : i32
      %dma_start3A_30 = tpu.memref_slice %arg2[%add3A, %dma_start3A, %dma_start3A_29] : memref<32x79x128xi32, #tpu.memory_space<hbm>> -> memref<1x79x128xi32, #tpu.memory_space<hbm>>
      %dma_start3A_31 = tpu.memref_squeeze %dma_start3A_30 : memref<1x79x128xi32, #tpu.memory_space<hbm>> -> memref<79x128xi32, #tpu.memory_space<hbm>>
      %dma_start3A_32 = arith.constant 0 : i32
      %dma_start3A_33 = arith.constant 0 : i32
      %dma_start3A_34 = tpu.memref_slice %arg2[%add3A, %dma_start3A_32, %dma_start3A_33] : memref<32x79x128xi32, #tpu.memory_space<hbm>> -> memref<1x79x128xi32, #tpu.memory_space<hbm>>
      %dma_start3A_35 = tpu.memref_squeeze %dma_start3A_34 : memref<1x79x128xi32, #tpu.memory_space<hbm>> -> memref<79x128xi32, #tpu.memory_space<hbm>>
      tpu.enqueue_dma source(%dma_start3A_35 : memref<79x128xi32, #tpu.memory_space<hbm>>) target(%arg4 : memref<79x128xi32, #tpu.memory_space<vmem>>) target_semaphore(%run_scoped3A : memref<!tpu.dma_semaphore, #tpu.memory_space<semaphore_mem>>)
      %dma_wait3A = arith.constant 0 : i32
      %dma_wait3A_36 = arith.constant 0 : i32
      %dma_wait3A_37 = tpu.memref_slice %arg2[%add3A, %dma_wait3A, %dma_wait3A_36] : memref<32x79x128xi32, #tpu.memory_space<hbm>> -> memref<1x79x128xi32, #tpu.memory_space<hbm>>
      %dma_wait3A_38 = tpu.memref_squeeze %dma_wait3A_37 : memref<1x79x128xi32, #tpu.memory_space<hbm>> -> memref<79x128xi32, #tpu.memory_space<hbm>>
      %dma_wait3A_39 = arith.constant 0 : i32
      %dma_wait3A_40 = arith.constant 0 : i32
      %dma_wait3A_41 = tpu.memref_slice %arg2[%add3A, %dma_wait3A_39, %dma_wait3A_40] : memref<32x79x128xi32, #tpu.memory_space<hbm>> -> memref<1x79x128xi32, #tpu.memory_space<hbm>>
      %dma_wait3A_42 = tpu.memref_squeeze %dma_wait3A_41 : memref<1x79x128xi32, #tpu.memory_space<hbm>> -> memref<79x128xi32, #tpu.memory_space<hbm>>
      tpu.wait_dma2 semaphore(%run_scoped3A : memref<!tpu.dma_semaphore, #tpu.memory_space<semaphore_mem>>) src(%dma_wait3A_42 : memref<79x128xi32, #tpu.memory_space<hbm>>) dst(%arg4 : memref<79x128xi32, #tpu.memory_space<vmem>>)
      tpu.yield
    }) : () -> ()
    %scan3A_18 = arith.constant 0 : i32
    %scan3A_19 = arith.constant 79 : i32
    %scan3A_20 = arith.addi %scan3A_18, %scan3A_19 : i32
    %scan3A_21 = arith.constant 1 : i32
    scf.for %scan3A_29 = %scan3A_18 to %scan3A_20 step %scan3A_21  : i32 {
      %mul3A_30 = arith.constant 1 : i32
      %mul3A_31 = arith.muli %scan3A_29, %mul3A_30 : i32
      %add3A_32 = arith.constant 0 : i32
      %add3A_33 = arith.addi %add3A_32, %mul3A_31 : i32
      "tpu.region"() ({
        %run_scoped3A = tpu.sem_alloc : memref<!tpu.dma_semaphore, #tpu.memory_space<semaphore_mem>>
        %dma_start3A = arith.constant 0 : i32
        %dma_start3A_34 = tpu.memref_slice %arg4[%add3A_33, %dma_start3A] : memref<79x128xi32, #tpu.memory_space<vmem>> -> memref<1x128xi32, #tpu.memory_space<vmem>>
        %dma_start3A_35 = tpu.memref_squeeze %dma_start3A_34 : memref<1x128xi32, #tpu.memory_space<vmem>> -> memref<128xi32, #tpu.memory_space<vmem>>
        %dma_start3A_36 = arith.constant 0 : i32
        %dma_start3A_37 = arith.constant 0 : i32
        %dma_start3A_38 = tpu.memref_slice %arg6[%dma_start3A_36, %dma_start3A_37] : memref<10240x16xf32, #tpu.memory_space<vmem_shared>> -> memref<10240x16xf32, #tpu.memory_space<vmem_shared>>
        tpu.enqueue_indirect_dma source(%arg5 : memref<128x16xf32, #tpu.memory_space<vmem>>) target(%dma_start3A_38 : memref<10240x16xf32, #tpu.memory_space<vmem_shared>>) offsets(%dma_start3A_35 : memref<128xi32, #tpu.memory_space<vmem>>) semaphore(%run_scoped3A : memref<!tpu.dma_semaphore, #tpu.memory_space<semaphore_mem>>) {add = true}
        %dma_wait3A = arith.constant 0 : i32
        %dma_wait3A_39 = tpu.memref_slice %arg4[%add3A_33, %dma_wait3A] : memref<79x128xi32, #tpu.memory_space<vmem>> -> memref<1x128xi32, #tpu.memory_space<vmem>>
        %dma_wait3A_40 = tpu.memref_squeeze %dma_wait3A_39 : memref<1x128xi32, #tpu.memory_space<vmem>> -> memref<128xi32, #tpu.memory_space<vmem>>
        %dma_wait3A_41 = arith.constant 0 : i32
        %dma_wait3A_42 = arith.constant 0 : i32
        %dma_wait3A_43 = tpu.memref_slice %arg6[%dma_wait3A_41, %dma_wait3A_42] : memref<10240x16xf32, #tpu.memory_space<vmem_shared>> -> memref<10240x16xf32, #tpu.memory_space<vmem_shared>>
        tpu.wait_indirect_dma semaphore(%run_scoped3A : memref<!tpu.dma_semaphore, #tpu.memory_space<semaphore_mem>>) src(%arg5 : memref<128x16xf32, #tpu.memory_space<vmem>>) dst(%dma_wait3A_43 : memref<10240x16xf32, #tpu.memory_space<vmem_shared>>)
        tpu.yield
      }) : () -> ()
    }
    %scan3A_22 = arith.constant 79 : i32
    %barrier3A_23 = arith.constant 0 : index
    tpu.barrier barrier_id(%barrier3A_23)
    %scan3A_24 = arith.constant 0 : i32
    %scan3A_25 = arith.constant 5 : i32
    %scan3A_26 = arith.addi %scan3A_24, %scan3A_25 : i32
    %scan3A_27 = arith.constant 1 : i32
    scf.for %scan3A_29 = %scan3A_24 to %scan3A_26 step %scan3A_27  : i32 {
      %mul3A_30 = arith.constant 1 : i32
      %mul3A_31 = arith.muli %scan3A_29, %mul3A_30 : i32
      %add3A_32 = arith.constant 0 : i32
      %add3A_33 = arith.addi %add3A_32, %mul3A_31 : i32
      %mul3A_34 = arith.constant 640 : i32
      %mul3A_35 = arith.muli %arg1, %mul3A_34 : i32
      %mul3A_36 = arith.constant 128 : i32
      %mul3A_37 = arith.muli %add3A_33, %mul3A_36 : i32
      %add3A_38 = arith.addi %mul3A_35, %mul3A_37 : i32
      "tpu.region"() ({
        %run_scoped3A = tpu.sem_alloc : memref<!tpu.dma_semaphore, #tpu.memory_space<semaphore_mem>>
        %dma_start3A = arith.constant 0 : i32
        %dma_start3A_39 = arith.constant 0 : i32
        %dma_start3A_40 = tpu.memref_slice %arg3[%arg0, %dma_start3A, %dma_start3A_39] : memref<2x10240x16xf32, #tpu.memory_space<hbm>> -> memref<1x10240x16xf32, #tpu.memory_space<hbm>>
        %dma_start3A_41 = tpu.memref_squeeze %dma_start3A_40 : memref<1x10240x16xf32, #tpu.memory_space<hbm>> -> memref<10240x16xf32, #tpu.memory_space<hbm>>
        %dma_start3A_42 = arith.constant 0 : i32
        %dma_start3A_43 = tpu.memref_slice %dma_start3A_41[%add3A_38, %dma_start3A_42] : memref<10240x16xf32, #tpu.memory_space<hbm>> -> memref<128x16xf32, #tpu.memory_space<hbm>>
        %dma_start3A_44 = arith.constant 0 : i32
        %dma_start3A_45 = tpu.memref_slice %arg6[%add3A_38, %dma_start3A_44] : memref<10240x16xf32, #tpu.memory_space<vmem_shared>> -> memref<128x16xf32, #tpu.memory_space<vmem_shared>>
        tpu.enqueue_dma source(%dma_start3A_45 : memref<128x16xf32, #tpu.memory_space<vmem_shared>>) target(%dma_start3A_43 : memref<128x16xf32, #tpu.memory_space<hbm>>) target_semaphore(%run_scoped3A : memref<!tpu.dma_semaphore, #tpu.memory_space<semaphore_mem>>)
        %dma_wait3A = arith.constant 0 : i32
        %dma_wait3A_46 = arith.constant 0 : i32
        %dma_wait3A_47 = tpu.memref_slice %arg3[%arg0, %dma_wait3A, %dma_wait3A_46] : memref<2x10240x16xf32, #tpu.memory_space<hbm>> -> memref<1x10240x16xf32, #tpu.memory_space<hbm>>
        %dma_wait3A_48 = tpu.memref_squeeze %dma_wait3A_47 : memref<1x10240x16xf32, #tpu.memory_space<hbm>> -> memref<10240x16xf32, #tpu.memory_space<hbm>>
        %dma_wait3A_49 = arith.constant 0 : i32
        %dma_wait3A_50 = tpu.memref_slice %dma_wait3A_48[%add3A_38, %dma_wait3A_49] : memref<10240x16xf32, #tpu.memory_space<hbm>> -> memref<128x16xf32, #tpu.memory_space<hbm>>
        %dma_wait3A_51 = arith.constant 0 : i32
        %dma_wait3A_52 = tpu.memref_slice %arg6[%add3A_38, %dma_wait3A_51] : memref<10240x16xf32, #tpu.memory_space<vmem_shared>> -> memref<128x16xf32, #tpu.memory_space<vmem_shared>>
        tpu.wait_dma2 semaphore(%run_scoped3A : memref<!tpu.dma_semaphore, #tpu.memory_space<semaphore_mem>>) src(%dma_wait3A_52 : memref<128x16xf32, #tpu.memory_space<vmem_shared>>) dst(%dma_wait3A_50 : memref<128x16xf32, #tpu.memory_space<hbm>>)
        tpu.yield
      }) : () -> ()
    }
    %scan3A_28 = arith.constant 5 : i32
    return
  }
}

#map = affine_map<(d0, d1) -> (0, 0, 0)>
#map1 = affine_map<(d0, d1) -> (0, 0)>
module attributes {stable_mosaic.version = 14 : i64} {
  func.func @sc_kernel(%arg0: i32, %arg1: i32, %arg2: memref<32x79x128xi32, #tpu.memory_space<hbm>>, %arg3: memref<32x79x128xi32, #tpu.memory_space<hbm>>, %arg4: memref<10240x128xf32, #tpu.memory_space<hbm>>, %arg5: memref<2x10240x128xf32, #tpu.memory_space<hbm>>, %arg6: memref<79x128xi32, #tpu.memory_space<vmem>>, %arg7: memref<79x128xi32, #tpu.memory_space<vmem>>, %arg8: memref<128x128xf32, #tpu.memory_space<vmem>>, %arg9: memref<10240x128xf32, #tpu.memory_space<vmem_shared>>, %arg10: memref<!tpu.dma_semaphore, #tpu.memory_space<semaphore_mem>>) attributes {dimension_semantics = [#tpu.dimension_semantics<core_parallel>, #tpu.dimension_semantics<subcore_parallel>], iteration_bounds = array<i64: 2, 16>, scalar_prefetch = 0 : i64, scratch_operands = 5 : i64, tpu.core_type = #tpu.core_type<sc_vector_subcore>, window_params = [{transform_indices = #map}, {transform_indices = #map}, {transform_indices = #map1}, {transform_indices = #map}]} {
    %mul3A = arith.constant 16 : i32
    %mul3A_0 = arith.muli %arg0, %mul3A : i32
    %add3A = arith.addi %mul3A_0, %arg1 : i32
    %broadcast_in_dim3A = arith.constant 0.000000e+00 : f32
    %broadcast_in_dim3A_1 = vector.broadcast %broadcast_in_dim3A : f32 to vector<16xf32>
    %scan3A = arith.constant 0 : i32
    %scan3A_2 = arith.constant 128 : i32
    %scan3A_3 = arith.addi %scan3A, %scan3A_2 : i32
    %scan3A_4 = arith.constant 1 : i32
    scf.for %scan3A_22 = %scan3A to %scan3A_3 step %scan3A_4  : i32 {
      %mul3A_23 = arith.constant 1 : i32
      %mul3A_24 = arith.muli %scan3A_22, %mul3A_23 : i32
      %add3A_25 = arith.constant 0 : i32
      %add3A_26 = arith.addi %add3A_25, %mul3A_24 : i32
      %swap3A = arith.index_cast %add3A_26 : i32 to index
      %swap3A_27 = arith.constant 0 : index
      %swap3A_28 = tpu.vector_load %arg8[%swap3A, %swap3A_27] {strides = array<i32>} : memref<128x128xf32, #tpu.memory_space<vmem>>, vector<1x16xf32>,
      %swap3A_29 = vector.shape_cast %swap3A_28 : vector<1x16xf32> to vector<16xf32>
      %swap3A_30 = vector.shape_cast %broadcast_in_dim3A_1 : vector<16xf32> to vector<1x16xf32>
      tpu.vector_store %arg8[%swap3A, %swap3A_27], %swap3A_30 {strides = array<i32>} : memref<128x128xf32, #tpu.memory_space<vmem>>, vector<1x16xf32>,
      %swap3A_31 = arith.index_cast %add3A_26 : i32 to index
      %swap3A_32 = arith.constant 16 : index
      %swap3A_33 = tpu.vector_load %arg8[%swap3A_31, %swap3A_32] {strides = array<i32>} : memref<128x128xf32, #tpu.memory_space<vmem>>, vector<1x16xf32>,
      %swap3A_34 = vector.shape_cast %swap3A_33 : vector<1x16xf32> to vector<16xf32>
      %swap3A_35 = vector.shape_cast %broadcast_in_dim3A_1 : vector<16xf32> to vector<1x16xf32>
      tpu.vector_store %arg8[%swap3A_31, %swap3A_32], %swap3A_35 {strides = array<i32>} : memref<128x128xf32, #tpu.memory_space<vmem>>, vector<1x16xf32>,
      %swap3A_36 = arith.index_cast %add3A_26 : i32 to index
      %swap3A_37 = arith.constant 32 : index
      %swap3A_38 = tpu.vector_load %arg8[%swap3A_36, %swap3A_37] {strides = array<i32>} : memref<128x128xf32, #tpu.memory_space<vmem>>, vector<1x16xf32>,
      %swap3A_39 = vector.shape_cast %swap3A_38 : vector<1x16xf32> to vector<16xf32>
      %swap3A_40 = vector.shape_cast %broadcast_in_dim3A_1 : vector<16xf32> to vector<1x16xf32>
      tpu.vector_store %arg8[%swap3A_36, %swap3A_37], %swap3A_40 {strides = array<i32>} : memref<128x128xf32, #tpu.memory_space<vmem>>, vector<1x16xf32>,
      %swap3A_41 = arith.index_cast %add3A_26 : i32 to index
      %swap3A_42 = arith.constant 48 : index
      %swap3A_43 = tpu.vector_load %arg8[%swap3A_41, %swap3A_42] {strides = array<i32>} : memref<128x128xf32, #tpu.memory_space<vmem>>, vector<1x16xf32>,
      %swap3A_44 = vector.shape_cast %swap3A_43 : vector<1x16xf32> to vector<16xf32>
      %swap3A_45 = vector.shape_cast %broadcast_in_dim3A_1 : vector<16xf32> to vector<1x16xf32>
      tpu.vector_store %arg8[%swap3A_41, %swap3A_42], %swap3A_45 {strides = array<i32>} : memref<128x128xf32, #tpu.memory_space<vmem>>, vector<1x16xf32>,
      %swap3A_46 = arith.index_cast %add3A_26 : i32 to index
      %swap3A_47 = arith.constant 64 : index
      %swap3A_48 = tpu.vector_load %arg8[%swap3A_46, %swap3A_47] {strides = array<i32>} : memref<128x128xf32, #tpu.memory_space<vmem>>, vector<1x16xf32>,
      %swap3A_49 = vector.shape_cast %swap3A_48 : vector<1x16xf32> to vector<16xf32>
      %swap3A_50 = vector.shape_cast %broadcast_in_dim3A_1 : vector<16xf32> to vector<1x16xf32>
      tpu.vector_store %arg8[%swap3A_46, %swap3A_47], %swap3A_50 {strides = array<i32>} : memref<128x128xf32, #tpu.memory_space<vmem>>, vector<1x16xf32>,
      %swap3A_51 = arith.index_cast %add3A_26 : i32 to index
      %swap3A_52 = arith.constant 80 : index
      %swap3A_53 = tpu.vector_load %arg8[%swap3A_51, %swap3A_52] {strides = array<i32>} : memref<128x128xf32, #tpu.memory_space<vmem>>, vector<1x16xf32>,
      %swap3A_54 = vector.shape_cast %swap3A_53 : vector<1x16xf32> to vector<16xf32>
      %swap3A_55 = vector.shape_cast %broadcast_in_dim3A_1 : vector<16xf32> to vector<1x16xf32>
      tpu.vector_store %arg8[%swap3A_51, %swap3A_52], %swap3A_55 {strides = array<i32>} : memref<128x128xf32, #tpu.memory_space<vmem>>, vector<1x16xf32>,
      %swap3A_56 = arith.index_cast %add3A_26 : i32 to index
      %swap3A_57 = arith.constant 96 : index
      %swap3A_58 = tpu.vector_load %arg8[%swap3A_56, %swap3A_57] {strides = array<i32>} : memref<128x128xf32, #tpu.memory_space<vmem>>, vector<1x16xf32>,
      %swap3A_59 = vector.shape_cast %swap3A_58 : vector<1x16xf32> to vector<16xf32>
      %swap3A_60 = vector.shape_cast %broadcast_in_dim3A_1 : vector<16xf32> to vector<1x16xf32>
      tpu.vector_store %arg8[%swap3A_56, %swap3A_57], %swap3A_60 {strides = array<i32>} : memref<128x128xf32, #tpu.memory_space<vmem>>, vector<1x16xf32>,
      %swap3A_61 = arith.index_cast %add3A_26 : i32 to index
      %swap3A_62 = arith.constant 112 : index
      %swap3A_63 = tpu.vector_load %arg8[%swap3A_61, %swap3A_62] {strides = array<i32>} : memref<128x128xf32, #tpu.memory_space<vmem>>, vector<1x16xf32>,
      %swap3A_64 = vector.shape_cast %swap3A_63 : vector<1x16xf32> to vector<16xf32>
      %swap3A_65 = vector.shape_cast %broadcast_in_dim3A_1 : vector<16xf32> to vector<1x16xf32>
      tpu.vector_store %arg8[%swap3A_61, %swap3A_62], %swap3A_65 {strides = array<i32>} : memref<128x128xf32, #tpu.memory_space<vmem>>, vector<1x16xf32>,
    }
    %scan3A_5 = arith.constant 128 : i32
    %scan3A_6 = arith.constant 0 : i32
    %scan3A_7 = arith.constant 5 : i32
    %scan3A_8 = arith.addi %scan3A_6, %scan3A_7 : i32
    %scan3A_9 = arith.constant 1 : i32
    scf.for %scan3A_22 = %scan3A_6 to %scan3A_8 step %scan3A_9  : i32 {
      %mul3A_23 = arith.constant 1 : i32
      %mul3A_24 = arith.muli %scan3A_22, %mul3A_23 : i32
      %add3A_25 = arith.constant 0 : i32
      %add3A_26 = arith.addi %add3A_25, %mul3A_24 : i32
      %mul3A_27 = arith.constant 640 : i32
      %mul3A_28 = arith.muli %arg1, %mul3A_27 : i32
      %mul3A_29 = arith.constant 128 : i32
      %mul3A_30 = arith.muli %add3A_26, %mul3A_29 : i32
      %add3A_31 = arith.addi %mul3A_28, %mul3A_30 : i32
      "tpu.region"() ({
        %run_scoped3A = tpu.sem_alloc : memref<!tpu.dma_semaphore, #tpu.memory_space<semaphore_mem>>
        %dma_start3A = arith.constant 0 : i32
        %dma_start3A_32 = tpu.memref_slice %arg9[%add3A_31, %dma_start3A] : memref<10240x128xf32, #tpu.memory_space<vmem_shared>> -> memref<128x128xf32, #tpu.memory_space<vmem_shared>>
        %dma_start3A_33 = arith.constant 0 : i32
        %dma_start3A_34 = tpu.memref_slice %arg9[%add3A_31, %dma_start3A_33] : memref<10240x128xf32, #tpu.memory_space<vmem_shared>> -> memref<128x128xf32, #tpu.memory_space<vmem_shared>>
        tpu.enqueue_dma source(%arg8 : memref<128x128xf32, #tpu.memory_space<vmem>>) target(%dma_start3A_34 : memref<128x128xf32, #tpu.memory_space<vmem_shared>>) target_semaphore(%run_scoped3A : memref<!tpu.dma_semaphore, #tpu.memory_space<semaphore_mem>>)
        %dma_wait3A = arith.constant 0 : i32
        %dma_wait3A_35 = tpu.memref_slice %arg9[%add3A_31, %dma_wait3A] : memref<10240x128xf32, #tpu.memory_space<vmem_shared>> -> memref<128x128xf32, #tpu.memory_space<vmem_shared>>
        %dma_wait3A_36 = arith.constant 0 : i32
        %dma_wait3A_37 = tpu.memref_slice %arg9[%add3A_31, %dma_wait3A_36] : memref<10240x128xf32, #tpu.memory_space<vmem_shared>> -> memref<128x128xf32, #tpu.memory_space<vmem_shared>>
        tpu.wait_dma2 semaphore(%run_scoped3A : memref<!tpu.dma_semaphore, #tpu.memory_space<semaphore_mem>>) src(%arg8 : memref<128x128xf32, #tpu.memory_space<vmem>>) dst(%dma_wait3A_37 : memref<128x128xf32, #tpu.memory_space<vmem_shared>>)
        tpu.yield
      }) : () -> ()
    }
    %scan3A_10 = arith.constant 5 : i32
    %barrier3A = arith.constant 0 : index
    tpu.barrier barrier_id(%barrier3A)
    "tpu.region"() ({
      %run_scoped3A = tpu.sem_alloc : memref<!tpu.dma_semaphore, #tpu.memory_space<semaphore_mem>>
      %dma_start3A = arith.constant 0 : i32
      %dma_start3A_22 = arith.constant 0 : i32
      %dma_start3A_23 = tpu.memref_slice %arg2[%add3A, %dma_start3A, %dma_start3A_22] : memref<32x79x128xi32, #tpu.memory_space<hbm>> -> memref<1x79x128xi32, #tpu.memory_space<hbm>>
      %dma_start3A_24 = tpu.memref_squeeze %dma_start3A_23 : memref<1x79x128xi32, #tpu.memory_space<hbm>> -> memref<79x128xi32, #tpu.memory_space<hbm>>
      %dma_start3A_25 = arith.constant 0 : i32
      %dma_start3A_26 = arith.constant 0 : i32
      %dma_start3A_27 = tpu.memref_slice %arg2[%add3A, %dma_start3A_25, %dma_start3A_26] : memref<32x79x128xi32, #tpu.memory_space<hbm>> -> memref<1x79x128xi32, #tpu.memory_space<hbm>>
      %dma_start3A_28 = tpu.memref_squeeze %dma_start3A_27 : memref<1x79x128xi32, #tpu.memory_space<hbm>> -> memref<79x128xi32, #tpu.memory_space<hbm>>
      tpu.enqueue_dma source(%dma_start3A_28 : memref<79x128xi32, #tpu.memory_space<hbm>>) target(%arg6 : memref<79x128xi32, #tpu.memory_space<vmem>>) target_semaphore(%run_scoped3A : memref<!tpu.dma_semaphore, #tpu.memory_space<semaphore_mem>>)
      %dma_wait3A = arith.constant 0 : i32
      %dma_wait3A_29 = arith.constant 0 : i32
      %dma_wait3A_30 = tpu.memref_slice %arg2[%add3A, %dma_wait3A, %dma_wait3A_29] : memref<32x79x128xi32, #tpu.memory_space<hbm>> -> memref<1x79x128xi32, #tpu.memory_space<hbm>>
      %dma_wait3A_31 = tpu.memref_squeeze %dma_wait3A_30 : memref<1x79x128xi32, #tpu.memory_space<hbm>> -> memref<79x128xi32, #tpu.memory_space<hbm>>
      %dma_wait3A_32 = arith.constant 0 : i32
      %dma_wait3A_33 = arith.constant 0 : i32
      %dma_wait3A_34 = tpu.memref_slice %arg2[%add3A, %dma_wait3A_32, %dma_wait3A_33] : memref<32x79x128xi32, #tpu.memory_space<hbm>> -> memref<1x79x128xi32, #tpu.memory_space<hbm>>
      %dma_wait3A_35 = tpu.memref_squeeze %dma_wait3A_34 : memref<1x79x128xi32, #tpu.memory_space<hbm>> -> memref<79x128xi32, #tpu.memory_space<hbm>>
      tpu.wait_dma2 semaphore(%run_scoped3A : memref<!tpu.dma_semaphore, #tpu.memory_space<semaphore_mem>>) src(%dma_wait3A_35 : memref<79x128xi32, #tpu.memory_space<hbm>>) dst(%arg6 : memref<79x128xi32, #tpu.memory_space<vmem>>)
      tpu.yield
    }) : () -> ()
    "tpu.region"() ({
      %run_scoped3A = tpu.sem_alloc : memref<!tpu.dma_semaphore, #tpu.memory_space<semaphore_mem>>
      %dma_start3A = arith.constant 0 : i32
      %dma_start3A_22 = arith.constant 0 : i32
      %dma_start3A_23 = tpu.memref_slice %arg3[%add3A, %dma_start3A, %dma_start3A_22] : memref<32x79x128xi32, #tpu.memory_space<hbm>> -> memref<1x79x128xi32, #tpu.memory_space<hbm>>
      %dma_start3A_24 = tpu.memref_squeeze %dma_start3A_23 : memref<1x79x128xi32, #tpu.memory_space<hbm>> -> memref<79x128xi32, #tpu.memory_space<hbm>>
      %dma_start3A_25 = arith.constant 0 : i32
      %dma_start3A_26 = arith.constant 0 : i32
      %dma_start3A_27 = tpu.memref_slice %arg3[%add3A, %dma_start3A_25, %dma_start3A_26] : memref<32x79x128xi32, #tpu.memory_space<hbm>> -> memref<1x79x128xi32, #tpu.memory_space<hbm>>
      %dma_start3A_28 = tpu.memref_squeeze %dma_start3A_27 : memref<1x79x128xi32, #tpu.memory_space<hbm>> -> memref<79x128xi32, #tpu.memory_space<hbm>>
      tpu.enqueue_dma source(%dma_start3A_28 : memref<79x128xi32, #tpu.memory_space<hbm>>) target(%arg7 : memref<79x128xi32, #tpu.memory_space<vmem>>) target_semaphore(%run_scoped3A : memref<!tpu.dma_semaphore, #tpu.memory_space<semaphore_mem>>)
      %dma_wait3A = arith.constant 0 : i32
      %dma_wait3A_29 = arith.constant 0 : i32
      %dma_wait3A_30 = tpu.memref_slice %arg3[%add3A, %dma_wait3A, %dma_wait3A_29] : memref<32x79x128xi32, #tpu.memory_space<hbm>> -> memref<1x79x128xi32, #tpu.memory_space<hbm>>
      %dma_wait3A_31 = tpu.memref_squeeze %dma_wait3A_30 : memref<1x79x128xi32, #tpu.memory_space<hbm>> -> memref<79x128xi32, #tpu.memory_space<hbm>>
      %dma_wait3A_32 = arith.constant 0 : i32
      %dma_wait3A_33 = arith.constant 0 : i32
      %dma_wait3A_34 = tpu.memref_slice %arg3[%add3A, %dma_wait3A_32, %dma_wait3A_33] : memref<32x79x128xi32, #tpu.memory_space<hbm>> -> memref<1x79x128xi32, #tpu.memory_space<hbm>>
      %dma_wait3A_35 = tpu.memref_squeeze %dma_wait3A_34 : memref<1x79x128xi32, #tpu.memory_space<hbm>> -> memref<79x128xi32, #tpu.memory_space<hbm>>
      tpu.wait_dma2 semaphore(%run_scoped3A : memref<!tpu.dma_semaphore, #tpu.memory_space<semaphore_mem>>) src(%dma_wait3A_35 : memref<79x128xi32, #tpu.memory_space<hbm>>) dst(%arg7 : memref<79x128xi32, #tpu.memory_space<vmem>>)
      tpu.yield
    }) : () -> ()
    %scan3A_11 = arith.constant 0 : i32
    %scan3A_12 = arith.constant 79 : i32
    %scan3A_13 = arith.addi %scan3A_11, %scan3A_12 : i32
    %scan3A_14 = arith.constant 1 : i32
    scf.for %scan3A_22 = %scan3A_11 to %scan3A_13 step %scan3A_14  : i32 {
      %mul3A_23 = arith.constant 1 : i32
      %mul3A_24 = arith.muli %scan3A_22, %mul3A_23 : i32
      %add3A_25 = arith.constant 0 : i32
      %add3A_26 = arith.addi %add3A_25, %mul3A_24 : i32
      %dma_start3A = arith.constant 0 : i32
      %dma_start3A_27 = tpu.memref_slice %arg6[%add3A_26, %dma_start3A] : memref<79x128xi32, #tpu.memory_space<vmem>> -> memref<1x128xi32, #tpu.memory_space<vmem>>
      %dma_start3A_28 = tpu.memref_squeeze %dma_start3A_27 : memref<1x128xi32, #tpu.memory_space<vmem>> -> memref<128xi32, #tpu.memory_space<vmem>>
      %dma_start3A_29 = arith.constant 0 : i32
      %dma_start3A_30 = arith.constant 0 : i32
      %dma_start3A_31 = tpu.memref_slice %arg4[%dma_start3A_29, %dma_start3A_30] : memref<10240x128xf32, #tpu.memory_space<hbm>> -> memref<10240x128xf32, #tpu.memory_space<hbm>>
      tpu.enqueue_indirect_dma source(%dma_start3A_31 : memref<10240x128xf32, #tpu.memory_space<hbm>>) target(%arg8 : memref<128x128xf32, #tpu.memory_space<vmem>>) offsets(%dma_start3A_28 : memref<128xi32, #tpu.memory_space<vmem>>) semaphore(%arg10 : memref<!tpu.dma_semaphore, #tpu.memory_space<semaphore_mem>>)
      %dma_wait3A = arith.constant 0 : i32
      %dma_wait3A_32 = tpu.memref_slice %arg6[%add3A_26, %dma_wait3A] : memref<79x128xi32, #tpu.memory_space<vmem>> -> memref<1x128xi32, #tpu.memory_space<vmem>>
      %dma_wait3A_33 = tpu.memref_squeeze %dma_wait3A_32 : memref<1x128xi32, #tpu.memory_space<vmem>> -> memref<128xi32, #tpu.memory_space<vmem>>
      %dma_wait3A_34 = arith.constant 0 : i32
      %dma_wait3A_35 = arith.constant 0 : i32
      %dma_wait3A_36 = tpu.memref_slice %arg4[%dma_wait3A_34, %dma_wait3A_35] : memref<10240x128xf32, #tpu.memory_space<hbm>> -> memref<10240x128xf32, #tpu.memory_space<hbm>>
      tpu.wait_indirect_dma semaphore(%arg10 : memref<!tpu.dma_semaphore, #tpu.memory_space<semaphore_mem>>) src(%dma_wait3A_36 : memref<10240x128xf32, #tpu.memory_space<hbm>>) dst(%arg8 : memref<128x128xf32, #tpu.memory_space<vmem>>)
      "tpu.region"() ({
        %run_scoped3A = tpu.sem_alloc : memref<!tpu.dma_semaphore, #tpu.memory_space<semaphore_mem>>
        %dma_start3A_37 = arith.constant 0 : i32
        %dma_start3A_38 = tpu.memref_slice %arg7[%add3A_26, %dma_start3A_37] : memref<79x128xi32, #tpu.memory_space<vmem>> -> memref<1x128xi32, #tpu.memory_space<vmem>>
        %dma_start3A_39 = tpu.memref_squeeze %dma_start3A_38 : memref<1x128xi32, #tpu.memory_space<vmem>> -> memref<128xi32, #tpu.memory_space<vmem>>
        %dma_start3A_40 = arith.constant 0 : i32
        %dma_start3A_41 = arith.constant 0 : i32
        %dma_start3A_42 = tpu.memref_slice %arg9[%dma_start3A_40, %dma_start3A_41] : memref<10240x128xf32, #tpu.memory_space<vmem_shared>> -> memref<10240x128xf32, #tpu.memory_space<vmem_shared>>
        tpu.enqueue_indirect_dma source(%arg8 : memref<128x128xf32, #tpu.memory_space<vmem>>) target(%dma_start3A_42 : memref<10240x128xf32, #tpu.memory_space<vmem_shared>>) offsets(%dma_start3A_39 : memref<128xi32, #tpu.memory_space<vmem>>) semaphore(%run_scoped3A : memref<!tpu.dma_semaphore, #tpu.memory_space<semaphore_mem>>) {add = true}
        %dma_wait3A_43 = arith.constant 0 : i32
        %dma_wait3A_44 = tpu.memref_slice %arg7[%add3A_26, %dma_wait3A_43] : memref<79x128xi32, #tpu.memory_space<vmem>> -> memref<1x128xi32, #tpu.memory_space<vmem>>
        %dma_wait3A_45 = tpu.memref_squeeze %dma_wait3A_44 : memref<1x128xi32, #tpu.memory_space<vmem>> -> memref<128xi32, #tpu.memory_space<vmem>>
        %dma_wait3A_46 = arith.constant 0 : i32
        %dma_wait3A_47 = arith.constant 0 : i32
        %dma_wait3A_48 = tpu.memref_slice %arg9[%dma_wait3A_46, %dma_wait3A_47] : memref<10240x128xf32, #tpu.memory_space<vmem_shared>> -> memref<10240x128xf32, #tpu.memory_space<vmem_shared>>
        tpu.wait_indirect_dma semaphore(%run_scoped3A : memref<!tpu.dma_semaphore, #tpu.memory_space<semaphore_mem>>) src(%arg8 : memref<128x128xf32, #tpu.memory_space<vmem>>) dst(%dma_wait3A_48 : memref<10240x128xf32, #tpu.memory_space<vmem_shared>>)
        tpu.yield
      }) : () -> ()
    }
    %scan3A_15 = arith.constant 79 : i32
    %barrier3A_16 = arith.constant 0 : index
    tpu.barrier barrier_id(%barrier3A_16)
    %scan3A_17 = arith.constant 0 : i32
    %scan3A_18 = arith.constant 5 : i32
    %scan3A_19 = arith.addi %scan3A_17, %scan3A_18 : i32
    %scan3A_20 = arith.constant 1 : i32
    scf.for %scan3A_22 = %scan3A_17 to %scan3A_19 step %scan3A_20  : i32 {
      %mul3A_23 = arith.constant 1 : i32
      %mul3A_24 = arith.muli %scan3A_22, %mul3A_23 : i32
      %add3A_25 = arith.constant 0 : i32
      %add3A_26 = arith.addi %add3A_25, %mul3A_24 : i32
      %mul3A_27 = arith.constant 640 : i32
      %mul3A_28 = arith.muli %arg1, %mul3A_27 : i32
      %mul3A_29 = arith.constant 128 : i32
      %mul3A_30 = arith.muli %add3A_26, %mul3A_29 : i32
      %add3A_31 = arith.addi %mul3A_28, %mul3A_30 : i32
      "tpu.region"() ({
        %run_scoped3A = tpu.sem_alloc : memref<!tpu.dma_semaphore, #tpu.memory_space<semaphore_mem>>
        %dma_start3A = arith.constant 0 : i32
        %dma_start3A_32 = arith.constant 0 : i32
        %dma_start3A_33 = tpu.memref_slice %arg5[%arg0, %dma_start3A, %dma_start3A_32] : memref<2x10240x128xf32, #tpu.memory_space<hbm>> -> memref<1x10240x128xf32, #tpu.memory_space<hbm>>
        %dma_start3A_34 = tpu.memref_squeeze %dma_start3A_33 : memref<1x10240x128xf32, #tpu.memory_space<hbm>> -> memref<10240x128xf32, #tpu.memory_space<hbm>>
        %dma_start3A_35 = arith.constant 0 : i32
        %dma_start3A_36 = tpu.memref_slice %dma_start3A_34[%add3A_31, %dma_start3A_35] : memref<10240x128xf32, #tpu.memory_space<hbm>> -> memref<128x128xf32, #tpu.memory_space<hbm>>
        %dma_start3A_37 = arith.constant 0 : i32
        %dma_start3A_38 = tpu.memref_slice %arg9[%add3A_31, %dma_start3A_37] : memref<10240x128xf32, #tpu.memory_space<vmem_shared>> -> memref<128x128xf32, #tpu.memory_space<vmem_shared>>
        tpu.enqueue_dma source(%dma_start3A_38 : memref<128x128xf32, #tpu.memory_space<vmem_shared>>) target(%dma_start3A_36 : memref<128x128xf32, #tpu.memory_space<hbm>>) target_semaphore(%run_scoped3A : memref<!tpu.dma_semaphore, #tpu.memory_space<semaphore_mem>>)
        %dma_wait3A = arith.constant 0 : i32
        %dma_wait3A_39 = arith.constant 0 : i32
        %dma_wait3A_40 = tpu.memref_slice %arg5[%arg0, %dma_wait3A, %dma_wait3A_39] : memref<2x10240x128xf32, #tpu.memory_space<hbm>> -> memref<1x10240x128xf32, #tpu.memory_space<hbm>>
        %dma_wait3A_41 = tpu.memref_squeeze %dma_wait3A_40 : memref<1x10240x128xf32, #tpu.memory_space<hbm>> -> memref<10240x128xf32, #tpu.memory_space<hbm>>
        %dma_wait3A_42 = arith.constant 0 : i32
        %dma_wait3A_43 = tpu.memref_slice %dma_wait3A_41[%add3A_31, %dma_wait3A_42] : memref<10240x128xf32, #tpu.memory_space<hbm>> -> memref<128x128xf32, #tpu.memory_space<hbm>>
        %dma_wait3A_44 = arith.constant 0 : i32
        %dma_wait3A_45 = tpu.memref_slice %arg9[%add3A_31, %dma_wait3A_44] : memref<10240x128xf32, #tpu.memory_space<vmem_shared>> -> memref<128x128xf32, #tpu.memory_space<vmem_shared>>
        tpu.wait_dma2 semaphore(%run_scoped3A : memref<!tpu.dma_semaphore, #tpu.memory_space<semaphore_mem>>) src(%dma_wait3A_45 : memref<128x128xf32, #tpu.memory_space<vmem_shared>>) dst(%dma_wait3A_43 : memref<128x128xf32, #tpu.memory_space<hbm>>)
        tpu.yield
      }) : () -> ()
    }
    %scan3A_21 = arith.constant 5 : i32
    return
  }
}

#map = affine_map<(d0, d1) -> (0, 0, 0)>
#map1 = affine_map<(d0, d1) -> (0, 0)>
module attributes {stable_mosaic.version = 14 : i64} {
  func.func @sc_kernel(%arg0: i32, %arg1: i32, %arg2: memref<32x79x128xi32, #tpu.memory_space<hbm>>, %arg3: memref<32x79x128xi32, #tpu.memory_space<hbm>>, %arg4: memref<10240x32xf32, #tpu.memory_space<hbm>>, %arg5: memref<2x10240x32xf32, #tpu.memory_space<hbm>>, %arg6: memref<79x128xi32, #tpu.memory_space<vmem>>, %arg7: memref<79x128xi32, #tpu.memory_space<vmem>>, %arg8: memref<128x32xf32, #tpu.memory_space<vmem>>, %arg9: memref<10240x32xf32, #tpu.memory_space<vmem_shared>>, %arg10: memref<!tpu.dma_semaphore, #tpu.memory_space<semaphore_mem>>) attributes {dimension_semantics = [#tpu.dimension_semantics<core_parallel>, #tpu.dimension_semantics<subcore_parallel>], iteration_bounds = array<i64: 2, 16>, scalar_prefetch = 0 : i64, scratch_operands = 5 : i64, tpu.core_type = #tpu.core_type<sc_vector_subcore>, window_params = [{transform_indices = #map}, {transform_indices = #map}, {transform_indices = #map1}, {transform_indices = #map}]} {
    %mul3A = arith.constant 16 : i32
    %mul3A_0 = arith.muli %arg0, %mul3A : i32
    %add3A = arith.addi %mul3A_0, %arg1 : i32
    %broadcast_in_dim3A = arith.constant 0.000000e+00 : f32
    %broadcast_in_dim3A_1 = vector.broadcast %broadcast_in_dim3A : f32 to vector<16xf32>
    %scan3A = arith.constant 0 : i32
    %scan3A_2 = arith.constant 128 : i32
    %scan3A_3 = arith.addi %scan3A, %scan3A_2 : i32
    %scan3A_4 = arith.constant 1 : i32
    scf.for %scan3A_22 = %scan3A to %scan3A_3 step %scan3A_4  : i32 {
      %mul3A_23 = arith.constant 1 : i32
      %mul3A_24 = arith.muli %scan3A_22, %mul3A_23 : i32
      %add3A_25 = arith.constant 0 : i32
      %add3A_26 = arith.addi %add3A_25, %mul3A_24 : i32
      %swap3A = arith.index_cast %add3A_26 : i32 to index
      %swap3A_27 = arith.constant 0 : index
      %swap3A_28 = tpu.vector_load %arg8[%swap3A, %swap3A_27] {strides = array<i32>} : memref<128x32xf32, #tpu.memory_space<vmem>>, vector<1x16xf32>,
      %swap3A_29 = vector.shape_cast %swap3A_28 : vector<1x16xf32> to vector<16xf32>
      %swap3A_30 = vector.shape_cast %broadcast_in_dim3A_1 : vector<16xf32> to vector<1x16xf32>
      tpu.vector_store %arg8[%swap3A, %swap3A_27], %swap3A_30 {strides = array<i32>} : memref<128x32xf32, #tpu.memory_space<vmem>>, vector<1x16xf32>,
      %swap3A_31 = arith.index_cast %add3A_26 : i32 to index
      %swap3A_32 = arith.constant 16 : index
      %swap3A_33 = tpu.vector_load %arg8[%swap3A_31, %swap3A_32] {strides = array<i32>} : memref<128x32xf32, #tpu.memory_space<vmem>>, vector<1x16xf32>,
      %swap3A_34 = vector.shape_cast %swap3A_33 : vector<1x16xf32> to vector<16xf32>
      %swap3A_35 = vector.shape_cast %broadcast_in_dim3A_1 : vector<16xf32> to vector<1x16xf32>
      tpu.vector_store %arg8[%swap3A_31, %swap3A_32], %swap3A_35 {strides = array<i32>} : memref<128x32xf32, #tpu.memory_space<vmem>>, vector<1x16xf32>,
    }
    %scan3A_5 = arith.constant 128 : i32
    %scan3A_6 = arith.constant 0 : i32
    %scan3A_7 = arith.constant 5 : i32
    %scan3A_8 = arith.addi %scan3A_6, %scan3A_7 : i32
    %scan3A_9 = arith.constant 1 : i32
    scf.for %scan3A_22 = %scan3A_6 to %scan3A_8 step %scan3A_9  : i32 {
      %mul3A_23 = arith.constant 1 : i32
      %mul3A_24 = arith.muli %scan3A_22, %mul3A_23 : i32
      %add3A_25 = arith.constant 0 : i32
      %add3A_26 = arith.addi %add3A_25, %mul3A_24 : i32
      %mul3A_27 = arith.constant 640 : i32
      %mul3A_28 = arith.muli %arg1, %mul3A_27 : i32
      %mul3A_29 = arith.constant 128 : i32
      %mul3A_30 = arith.muli %add3A_26, %mul3A_29 : i32
      %add3A_31 = arith.addi %mul3A_28, %mul3A_30 : i32
      "tpu.region"() ({
        %run_scoped3A = tpu.sem_alloc : memref<!tpu.dma_semaphore, #tpu.memory_space<semaphore_mem>>
        %dma_start3A = arith.constant 0 : i32
        %dma_start3A_32 = tpu.memref_slice %arg9[%add3A_31, %dma_start3A] : memref<10240x32xf32, #tpu.memory_space<vmem_shared>> -> memref<128x32xf32, #tpu.memory_space<vmem_shared>>
        %dma_start3A_33 = arith.constant 0 : i32
        %dma_start3A_34 = tpu.memref_slice %arg9[%add3A_31, %dma_start3A_33] : memref<10240x32xf32, #tpu.memory_space<vmem_shared>> -> memref<128x32xf32, #tpu.memory_space<vmem_shared>>
        tpu.enqueue_dma source(%arg8 : memref<128x32xf32, #tpu.memory_space<vmem>>) target(%dma_start3A_34 : memref<128x32xf32, #tpu.memory_space<vmem_shared>>) target_semaphore(%run_scoped3A : memref<!tpu.dma_semaphore, #tpu.memory_space<semaphore_mem>>)
        %dma_wait3A = arith.constant 0 : i32
        %dma_wait3A_35 = tpu.memref_slice %arg9[%add3A_31, %dma_wait3A] : memref<10240x32xf32, #tpu.memory_space<vmem_shared>> -> memref<128x32xf32, #tpu.memory_space<vmem_shared>>
        %dma_wait3A_36 = arith.constant 0 : i32
        %dma_wait3A_37 = tpu.memref_slice %arg9[%add3A_31, %dma_wait3A_36] : memref<10240x32xf32, #tpu.memory_space<vmem_shared>> -> memref<128x32xf32, #tpu.memory_space<vmem_shared>>
        tpu.wait_dma2 semaphore(%run_scoped3A : memref<!tpu.dma_semaphore, #tpu.memory_space<semaphore_mem>>) src(%arg8 : memref<128x32xf32, #tpu.memory_space<vmem>>) dst(%dma_wait3A_37 : memref<128x32xf32, #tpu.memory_space<vmem_shared>>)
        tpu.yield
      }) : () -> ()
    }
    %scan3A_10 = arith.constant 5 : i32
    %barrier3A = arith.constant 0 : index
    tpu.barrier barrier_id(%barrier3A)
    "tpu.region"() ({
      %run_scoped3A = tpu.sem_alloc : memref<!tpu.dma_semaphore, #tpu.memory_space<semaphore_mem>>
      %dma_start3A = arith.constant 0 : i32
      %dma_start3A_22 = arith.constant 0 : i32
      %dma_start3A_23 = tpu.memref_slice %arg2[%add3A, %dma_start3A, %dma_start3A_22] : memref<32x79x128xi32, #tpu.memory_space<hbm>> -> memref<1x79x128xi32, #tpu.memory_space<hbm>>
      %dma_start3A_24 = tpu.memref_squeeze %dma_start3A_23 : memref<1x79x128xi32, #tpu.memory_space<hbm>> -> memref<79x128xi32, #tpu.memory_space<hbm>>
      %dma_start3A_25 = arith.constant 0 : i32
      %dma_start3A_26 = arith.constant 0 : i32
      %dma_start3A_27 = tpu.memref_slice %arg2[%add3A, %dma_start3A_25, %dma_start3A_26] : memref<32x79x128xi32, #tpu.memory_space<hbm>> -> memref<1x79x128xi32, #tpu.memory_space<hbm>>
      %dma_start3A_28 = tpu.memref_squeeze %dma_start3A_27 : memref<1x79x128xi32, #tpu.memory_space<hbm>> -> memref<79x128xi32, #tpu.memory_space<hbm>>
      tpu.enqueue_dma source(%dma_start3A_28 : memref<79x128xi32, #tpu.memory_space<hbm>>) target(%arg6 : memref<79x128xi32, #tpu.memory_space<vmem>>) target_semaphore(%run_scoped3A : memref<!tpu.dma_semaphore, #tpu.memory_space<semaphore_mem>>)
      %dma_wait3A = arith.constant 0 : i32
      %dma_wait3A_29 = arith.constant 0 : i32
      %dma_wait3A_30 = tpu.memref_slice %arg2[%add3A, %dma_wait3A, %dma_wait3A_29] : memref<32x79x128xi32, #tpu.memory_space<hbm>> -> memref<1x79x128xi32, #tpu.memory_space<hbm>>
      %dma_wait3A_31 = tpu.memref_squeeze %dma_wait3A_30 : memref<1x79x128xi32, #tpu.memory_space<hbm>> -> memref<79x128xi32, #tpu.memory_space<hbm>>
      %dma_wait3A_32 = arith.constant 0 : i32
      %dma_wait3A_33 = arith.constant 0 : i32
      %dma_wait3A_34 = tpu.memref_slice %arg2[%add3A, %dma_wait3A_32, %dma_wait3A_33] : memref<32x79x128xi32, #tpu.memory_space<hbm>> -> memref<1x79x128xi32, #tpu.memory_space<hbm>>
      %dma_wait3A_35 = tpu.memref_squeeze %dma_wait3A_34 : memref<1x79x128xi32, #tpu.memory_space<hbm>> -> memref<79x128xi32, #tpu.memory_space<hbm>>
      tpu.wait_dma2 semaphore(%run_scoped3A : memref<!tpu.dma_semaphore, #tpu.memory_space<semaphore_mem>>) src(%dma_wait3A_35 : memref<79x128xi32, #tpu.memory_space<hbm>>) dst(%arg6 : memref<79x128xi32, #tpu.memory_space<vmem>>)
      tpu.yield
    }) : () -> ()
    "tpu.region"() ({
      %run_scoped3A = tpu.sem_alloc : memref<!tpu.dma_semaphore, #tpu.memory_space<semaphore_mem>>
      %dma_start3A = arith.constant 0 : i32
      %dma_start3A_22 = arith.constant 0 : i32
      %dma_start3A_23 = tpu.memref_slice %arg3[%add3A, %dma_start3A, %dma_start3A_22] : memref<32x79x128xi32, #tpu.memory_space<hbm>> -> memref<1x79x128xi32, #tpu.memory_space<hbm>>
      %dma_start3A_24 = tpu.memref_squeeze %dma_start3A_23 : memref<1x79x128xi32, #tpu.memory_space<hbm>> -> memref<79x128xi32, #tpu.memory_space<hbm>>
      %dma_start3A_25 = arith.constant 0 : i32
      %dma_start3A_26 = arith.constant 0 : i32
      %dma_start3A_27 = tpu.memref_slice %arg3[%add3A, %dma_start3A_25, %dma_start3A_26] : memref<32x79x128xi32, #tpu.memory_space<hbm>> -> memref<1x79x128xi32, #tpu.memory_space<hbm>>
      %dma_start3A_28 = tpu.memref_squeeze %dma_start3A_27 : memref<1x79x128xi32, #tpu.memory_space<hbm>> -> memref<79x128xi32, #tpu.memory_space<hbm>>
      tpu.enqueue_dma source(%dma_start3A_28 : memref<79x128xi32, #tpu.memory_space<hbm>>) target(%arg7 : memref<79x128xi32, #tpu.memory_space<vmem>>) target_semaphore(%run_scoped3A : memref<!tpu.dma_semaphore, #tpu.memory_space<semaphore_mem>>)
      %dma_wait3A = arith.constant 0 : i32
      %dma_wait3A_29 = arith.constant 0 : i32
      %dma_wait3A_30 = tpu.memref_slice %arg3[%add3A, %dma_wait3A, %dma_wait3A_29] : memref<32x79x128xi32, #tpu.memory_space<hbm>> -> memref<1x79x128xi32, #tpu.memory_space<hbm>>
      %dma_wait3A_31 = tpu.memref_squeeze %dma_wait3A_30 : memref<1x79x128xi32, #tpu.memory_space<hbm>> -> memref<79x128xi32, #tpu.memory_space<hbm>>
      %dma_wait3A_32 = arith.constant 0 : i32
      %dma_wait3A_33 = arith.constant 0 : i32
      %dma_wait3A_34 = tpu.memref_slice %arg3[%add3A, %dma_wait3A_32, %dma_wait3A_33] : memref<32x79x128xi32, #tpu.memory_space<hbm>> -> memref<1x79x128xi32, #tpu.memory_space<hbm>>
      %dma_wait3A_35 = tpu.memref_squeeze %dma_wait3A_34 : memref<1x79x128xi32, #tpu.memory_space<hbm>> -> memref<79x128xi32, #tpu.memory_space<hbm>>
      tpu.wait_dma2 semaphore(%run_scoped3A : memref<!tpu.dma_semaphore, #tpu.memory_space<semaphore_mem>>) src(%dma_wait3A_35 : memref<79x128xi32, #tpu.memory_space<hbm>>) dst(%arg7 : memref<79x128xi32, #tpu.memory_space<vmem>>)
      tpu.yield
    }) : () -> ()
    %scan3A_11 = arith.constant 0 : i32
    %scan3A_12 = arith.constant 79 : i32
    %scan3A_13 = arith.addi %scan3A_11, %scan3A_12 : i32
    %scan3A_14 = arith.constant 1 : i32
    scf.for %scan3A_22 = %scan3A_11 to %scan3A_13 step %scan3A_14  : i32 {
      %mul3A_23 = arith.constant 1 : i32
      %mul3A_24 = arith.muli %scan3A_22, %mul3A_23 : i32
      %add3A_25 = arith.constant 0 : i32
      %add3A_26 = arith.addi %add3A_25, %mul3A_24 : i32
      %dma_start3A = arith.constant 0 : i32
      %dma_start3A_27 = tpu.memref_slice %arg6[%add3A_26, %dma_start3A] : memref<79x128xi32, #tpu.memory_space<vmem>> -> memref<1x128xi32, #tpu.memory_space<vmem>>
      %dma_start3A_28 = tpu.memref_squeeze %dma_start3A_27 : memref<1x128xi32, #tpu.memory_space<vmem>> -> memref<128xi32, #tpu.memory_space<vmem>>
      %dma_start3A_29 = arith.constant 0 : i32
      %dma_start3A_30 = arith.constant 0 : i32
      %dma_start3A_31 = tpu.memref_slice %arg4[%dma_start3A_29, %dma_start3A_30] : memref<10240x32xf32, #tpu.memory_space<hbm>> -> memref<10240x32xf32, #tpu.memory_space<hbm>>
      tpu.enqueue_indirect_dma source(%dma_start3A_31 : memref<10240x32xf32, #tpu.memory_space<hbm>>) target(%arg8 : memref<128x32xf32, #tpu.memory_space<vmem>>) offsets(%dma_start3A_28 : memref<128xi32, #tpu.memory_space<vmem>>) semaphore(%arg10 : memref<!tpu.dma_semaphore, #tpu.memory_space<semaphore_mem>>)
      %dma_wait3A = arith.constant 0 : i32
      %dma_wait3A_32 = tpu.memref_slice %arg6[%add3A_26, %dma_wait3A] : memref<79x128xi32, #tpu.memory_space<vmem>> -> memref<1x128xi32, #tpu.memory_space<vmem>>
      %dma_wait3A_33 = tpu.memref_squeeze %dma_wait3A_32 : memref<1x128xi32, #tpu.memory_space<vmem>> -> memref<128xi32, #tpu.memory_space<vmem>>
      %dma_wait3A_34 = arith.constant 0 : i32
      %dma_wait3A_35 = arith.constant 0 : i32
      %dma_wait3A_36 = tpu.memref_slice %arg4[%dma_wait3A_34, %dma_wait3A_35] : memref<10240x32xf32, #tpu.memory_space<hbm>> -> memref<10240x32xf32, #tpu.memory_space<hbm>>
      tpu.wait_indirect_dma semaphore(%arg10 : memref<!tpu.dma_semaphore, #tpu.memory_space<semaphore_mem>>) src(%dma_wait3A_36 : memref<10240x32xf32, #tpu.memory_space<hbm>>) dst(%arg8 : memref<128x32xf32, #tpu.memory_space<vmem>>)
      "tpu.region"() ({
        %run_scoped3A = tpu.sem_alloc : memref<!tpu.dma_semaphore, #tpu.memory_space<semaphore_mem>>
        %dma_start3A_37 = arith.constant 0 : i32
        %dma_start3A_38 = tpu.memref_slice %arg7[%add3A_26, %dma_start3A_37] : memref<79x128xi32, #tpu.memory_space<vmem>> -> memref<1x128xi32, #tpu.memory_space<vmem>>
        %dma_start3A_39 = tpu.memref_squeeze %dma_start3A_38 : memref<1x128xi32, #tpu.memory_space<vmem>> -> memref<128xi32, #tpu.memory_space<vmem>>
        %dma_start3A_40 = arith.constant 0 : i32
        %dma_start3A_41 = arith.constant 0 : i32
        %dma_start3A_42 = tpu.memref_slice %arg9[%dma_start3A_40, %dma_start3A_41] : memref<10240x32xf32, #tpu.memory_space<vmem_shared>> -> memref<10240x32xf32, #tpu.memory_space<vmem_shared>>
        tpu.enqueue_indirect_dma source(%arg8 : memref<128x32xf32, #tpu.memory_space<vmem>>) target(%dma_start3A_42 : memref<10240x32xf32, #tpu.memory_space<vmem_shared>>) offsets(%dma_start3A_39 : memref<128xi32, #tpu.memory_space<vmem>>) semaphore(%run_scoped3A : memref<!tpu.dma_semaphore, #tpu.memory_space<semaphore_mem>>) {add = true}
        %dma_wait3A_43 = arith.constant 0 : i32
        %dma_wait3A_44 = tpu.memref_slice %arg7[%add3A_26, %dma_wait3A_43] : memref<79x128xi32, #tpu.memory_space<vmem>> -> memref<1x128xi32, #tpu.memory_space<vmem>>
        %dma_wait3A_45 = tpu.memref_squeeze %dma_wait3A_44 : memref<1x128xi32, #tpu.memory_space<vmem>> -> memref<128xi32, #tpu.memory_space<vmem>>
        %dma_wait3A_46 = arith.constant 0 : i32
        %dma_wait3A_47 = arith.constant 0 : i32
        %dma_wait3A_48 = tpu.memref_slice %arg9[%dma_wait3A_46, %dma_wait3A_47] : memref<10240x32xf32, #tpu.memory_space<vmem_shared>> -> memref<10240x32xf32, #tpu.memory_space<vmem_shared>>
        tpu.wait_indirect_dma semaphore(%run_scoped3A : memref<!tpu.dma_semaphore, #tpu.memory_space<semaphore_mem>>) src(%arg8 : memref<128x32xf32, #tpu.memory_space<vmem>>) dst(%dma_wait3A_48 : memref<10240x32xf32, #tpu.memory_space<vmem_shared>>)
        tpu.yield
      }) : () -> ()
    }
    %scan3A_15 = arith.constant 79 : i32
    %barrier3A_16 = arith.constant 0 : index
    tpu.barrier barrier_id(%barrier3A_16)
    %scan3A_17 = arith.constant 0 : i32
    %scan3A_18 = arith.constant 5 : i32
    %scan3A_19 = arith.addi %scan3A_17, %scan3A_18 : i32
    %scan3A_20 = arith.constant 1 : i32
    scf.for %scan3A_22 = %scan3A_17 to %scan3A_19 step %scan3A_20  : i32 {
      %mul3A_23 = arith.constant 1 : i32
      %mul3A_24 = arith.muli %scan3A_22, %mul3A_23 : i32
      %add3A_25 = arith.constant 0 : i32
      %add3A_26 = arith.addi %add3A_25, %mul3A_24 : i32
      %mul3A_27 = arith.constant 640 : i32
      %mul3A_28 = arith.muli %arg1, %mul3A_27 : i32
      %mul3A_29 = arith.constant 128 : i32
      %mul3A_30 = arith.muli %add3A_26, %mul3A_29 : i32
      %add3A_31 = arith.addi %mul3A_28, %mul3A_30 : i32
      "tpu.region"() ({
        %run_scoped3A = tpu.sem_alloc : memref<!tpu.dma_semaphore, #tpu.memory_space<semaphore_mem>>
        %dma_start3A = arith.constant 0 : i32
        %dma_start3A_32 = arith.constant 0 : i32
        %dma_start3A_33 = tpu.memref_slice %arg5[%arg0, %dma_start3A, %dma_start3A_32] : memref<2x10240x32xf32, #tpu.memory_space<hbm>> -> memref<1x10240x32xf32, #tpu.memory_space<hbm>>
        %dma_start3A_34 = tpu.memref_squeeze %dma_start3A_33 : memref<1x10240x32xf32, #tpu.memory_space<hbm>> -> memref<10240x32xf32, #tpu.memory_space<hbm>>
        %dma_start3A_35 = arith.constant 0 : i32
        %dma_start3A_36 = tpu.memref_slice %dma_start3A_34[%add3A_31, %dma_start3A_35] : memref<10240x32xf32, #tpu.memory_space<hbm>> -> memref<128x32xf32, #tpu.memory_space<hbm>>
        %dma_start3A_37 = arith.constant 0 : i32
        %dma_start3A_38 = tpu.memref_slice %arg9[%add3A_31, %dma_start3A_37] : memref<10240x32xf32, #tpu.memory_space<vmem_shared>> -> memref<128x32xf32, #tpu.memory_space<vmem_shared>>
        tpu.enqueue_dma source(%dma_start3A_38 : memref<128x32xf32, #tpu.memory_space<vmem_shared>>) target(%dma_start3A_36 : memref<128x32xf32, #tpu.memory_space<hbm>>) target_semaphore(%run_scoped3A : memref<!tpu.dma_semaphore, #tpu.memory_space<semaphore_mem>>)
        %dma_wait3A = arith.constant 0 : i32
        %dma_wait3A_39 = arith.constant 0 : i32
        %dma_wait3A_40 = tpu.memref_slice %arg5[%arg0, %dma_wait3A, %dma_wait3A_39] : memref<2x10240x32xf32, #tpu.memory_space<hbm>> -> memref<1x10240x32xf32, #tpu.memory_space<hbm>>
        %dma_wait3A_41 = tpu.memref_squeeze %dma_wait3A_40 : memref<1x10240x32xf32, #tpu.memory_space<hbm>> -> memref<10240x32xf32, #tpu.memory_space<hbm>>
        %dma_wait3A_42 = arith.constant 0 : i32
        %dma_wait3A_43 = tpu.memref_slice %dma_wait3A_41[%add3A_31, %dma_wait3A_42] : memref<10240x32xf32, #tpu.memory_space<hbm>> -> memref<128x32xf32, #tpu.memory_space<hbm>>
        %dma_wait3A_44 = arith.constant 0 : i32
        %dma_wait3A_45 = tpu.memref_slice %arg9[%add3A_31, %dma_wait3A_44] : memref<10240x32xf32, #tpu.memory_space<vmem_shared>> -> memref<128x32xf32, #tpu.memory_space<vmem_shared>>
        tpu.wait_dma2 semaphore(%run_scoped3A : memref<!tpu.dma_semaphore, #tpu.memory_space<semaphore_mem>>) src(%dma_wait3A_45 : memref<128x32xf32, #tpu.memory_space<vmem_shared>>) dst(%dma_wait3A_43 : memref<128x32xf32, #tpu.memory_space<hbm>>)
        tpu.yield
      }) : () -> ()
    }
    %scan3A_21 = arith.constant 5 : i32
    return
  }
}

module attributes {stable_mosaic.version = 14 : i64} {
  func.func @_tc1_body(%arg0: memref<10240x128xf32, #tpu.memory_space<vmem>>, %arg1: memref<10240x128xf32, #tpu.memory_space<vmem>>, %arg2: memref<128x64xf32, #tpu.memory_space<vmem>>, %arg3: memref<128x64xf32, #tpu.memory_space<vmem>>, %arg4: memref<2x10240x16xf32, #tpu.memory_space<vmem>>, %arg5: memref<10240x128xf32, #tpu.memory_space<vmem>>, %arg6: memref<10240x1xf32, #tpu.memory_space<vmem>>) attributes {dimension_semantics = [], scalar_prefetch = 0 : i64, scratch_operands = 0 : i64, tpu.core_type = #tpu.core_type<tc>} {
    %get3A = arith.constant 0 : index
    %get3A_0 = arith.constant 0 : index
    %get3A_1 = arith.constant 0 : index
    %get3A_2 = vector.load %arg4[%get3A, %get3A_0, %get3A_1] : memref<2x10240x16xf32, #tpu.memory_space<vmem>>, vector<1x10240x1xf32>
    %get3A_3 = vector.shape_cast %get3A_2 : vector<1x10240x1xf32> to vector<10240x1xf32>
    %get3A_4 = arith.constant 1 : index
    %get3A_5 = arith.constant 0 : index
    %get3A_6 = arith.constant 0 : index
    %get3A_7 = vector.load %arg4[%get3A_4, %get3A_5, %get3A_6] : memref<2x10240x16xf32, #tpu.memory_space<vmem>>, vector<1x10240x1xf32>
    %get3A_8 = vector.shape_cast %get3A_7 : vector<1x10240x1xf32> to vector<10240x1xf32>
    %add3A = arith.addf %get3A_3, %get3A_8 : vector<10240x1xf32>
    %add3A_9 = arith.constant 1.000000e+00 : f32
    %add3A_10 = vector.broadcast %add3A_9 : f32 to vector<10240x1xf32>
    %add3A_11 = arith.addf %add3A, %add3A_10 : vector<10240x1xf32>
    %rsqrt3A = math.rsqrt %add3A_11 : vector<10240x1xf32>
    %get3A_12 = arith.constant 0 : index
    %get3A_13 = arith.constant 0 : index
    %get3A_14 = vector.load %arg0[%get3A_12, %get3A_13] : memref<10240x128xf32, #tpu.memory_space<vmem>>, vector<10240x128xf32>
    %get3A_15 = arith.constant 0 : index
    %get3A_16 = arith.constant 0 : index
    %get3A_17 = vector.load %arg2[%get3A_15, %get3A_16] : memref<128x64xf32, #tpu.memory_space<vmem>>, vector<128x64xf32>
    %dot_general3A = arith.constant dense<0.000000e+00> : vector<10240x64xf32>
    %dot_general3A_18 = tpu.matmul %get3A_14, %get3A_17, %dot_general3A {dimension_numbers = #tpu.dot_dimension_numbers<[1], [0], [0], [1], [0, 0, 1, 1], [], []>, transpose_lhs_hint = false} : vector<10240x128xf32>, vector<128x64xf32>, vector<10240x64xf32> -> vector<10240x64xf32>
    %get3A_19 = arith.constant 0 : index
    %get3A_20 = arith.constant 0 : index
    %get3A_21 = vector.load %arg1[%get3A_19, %get3A_20] : memref<10240x128xf32, #tpu.memory_space<vmem>>, vector<10240x128xf32>
    %get3A_22 = arith.constant 0 : index
    %get3A_23 = arith.constant 0 : index
    %get3A_24 = vector.load %arg3[%get3A_22, %get3A_23] : memref<128x64xf32, #tpu.memory_space<vmem>>, vector<128x64xf32>
    %dot_general3A_25 = arith.constant dense<0.000000e+00> : vector<10240x64xf32>
    %dot_general3A_26 = tpu.matmul %get3A_21, %get3A_24, %dot_general3A_25 {dimension_numbers = #tpu.dot_dimension_numbers<[1], [0], [0], [1], [0, 0, 1, 1], [], []>, transpose_lhs_hint = false} : vector<10240x128xf32>, vector<128x64xf32>, vector<10240x64xf32> -> vector<10240x64xf32>
    %mul3A = vector.broadcast %rsqrt3A : vector<10240x1xf32> to vector<10240x64xf32>
    %mul3A_27 = arith.mulf %dot_general3A_18, %mul3A : vector<10240x64xf32>
    %swap3A = arith.constant 0 : index
    %swap3A_28 = arith.constant 0 : index
    %swap3A_29 = vector.load %arg5[%swap3A, %swap3A_28] : memref<10240x128xf32, #tpu.memory_space<vmem>>, vector<10240x64xf32>
    tpu.vector_store %arg5[%swap3A, %swap3A_28], %mul3A_27 {strides = array<i32>} : memref<10240x128xf32, #tpu.memory_space<vmem>>, vector<10240x64xf32>,
    %mul3A_30 = vector.broadcast %rsqrt3A : vector<10240x1xf32> to vector<10240x64xf32>
    %mul3A_31 = arith.mulf %dot_general3A_26, %mul3A_30 : vector<10240x64xf32>
    %swap3A_32 = arith.constant 0 : index
    %swap3A_33 = arith.constant 64 : index
    %swap3A_34 = vector.load %arg5[%swap3A_32, %swap3A_33] : memref<10240x128xf32, #tpu.memory_space<vmem>>, vector<10240x64xf32>
    tpu.vector_store %arg5[%swap3A_32, %swap3A_33], %mul3A_31 {strides = array<i32>} : memref<10240x128xf32, #tpu.memory_space<vmem>>, vector<10240x64xf32>,
    %swap3A_35 = arith.constant 0 : index
    %swap3A_36 = arith.constant 0 : index
    %swap3A_37 = vector.load %arg6[%swap3A_35, %swap3A_36] : memref<10240x1xf32, #tpu.memory_space<vmem>>, vector<10240x1xf32>
    tpu.vector_store %arg6[%swap3A_35, %swap3A_36], %rsqrt3A {strides = array<i32>} : memref<10240x1xf32, #tpu.memory_space<vmem>>, vector<10240x1xf32>,
    return
  }
}

module attributes {stable_mosaic.version = 14 : i64} {
  func.func @_tc2_body(%arg0: memref<2x10240x128xf32, #tpu.memory_space<vmem>>, %arg1: memref<10240x128xf32, #tpu.memory_space<vmem>>, %arg2: memref<10240x1xf32, #tpu.memory_space<vmem>>, %arg3: memref<1x128xf32, #tpu.memory_space<vmem>>, %arg4: memref<128x32xf32, #tpu.memory_space<vmem>>, %arg5: memref<10240x32xf32, #tpu.memory_space<vmem>>) attributes {dimension_semantics = [], scalar_prefetch = 0 : i64, scratch_operands = 0 : i64, tpu.core_type = #tpu.core_type<tc>} {
    %get3A = arith.constant 0 : index
    %get3A_0 = arith.constant 0 : index
    %get3A_1 = vector.load %arg2[%get3A, %get3A_0] : memref<10240x1xf32, #tpu.memory_space<vmem>>, vector<10240x1xf32>
    %get3A_2 = arith.constant 0 : index
    %get3A_3 = arith.constant 0 : index
    %get3A_4 = arith.constant 0 : index
    %get3A_5 = vector.load %arg0[%get3A_2, %get3A_3, %get3A_4] : memref<2x10240x128xf32, #tpu.memory_space<vmem>>, vector<1x10240x128xf32>
    %get3A_6 = vector.shape_cast %get3A_5 : vector<1x10240x128xf32> to vector<10240x128xf32>
    %get3A_7 = arith.constant 1 : index
    %get3A_8 = arith.constant 0 : index
    %get3A_9 = arith.constant 0 : index
    %get3A_10 = vector.load %arg0[%get3A_7, %get3A_8, %get3A_9] : memref<2x10240x128xf32, #tpu.memory_space<vmem>>, vector<1x10240x128xf32>
    %get3A_11 = vector.shape_cast %get3A_10 : vector<1x10240x128xf32> to vector<10240x128xf32>
    %add3A = arith.addf %get3A_6, %get3A_11 : vector<10240x128xf32>
    %get3A_12 = arith.constant 0 : index
    %get3A_13 = arith.constant 0 : index
    %get3A_14 = vector.load %arg1[%get3A_12, %get3A_13] : memref<10240x128xf32, #tpu.memory_space<vmem>>, vector<10240x128xf32>
    %add3A_15 = arith.addf %add3A, %get3A_14 : vector<10240x128xf32>
    %mul3A = vector.broadcast %get3A_1 : vector<10240x1xf32> to vector<10240x128xf32>
    %mul3A_16 = arith.mulf %add3A_15, %mul3A : vector<10240x128xf32>
    %get3A_17 = arith.constant 0 : index
    %get3A_18 = arith.constant 0 : index
    %get3A_19 = vector.load %arg3[%get3A_17, %get3A_18] : memref<1x128xf32, #tpu.memory_space<vmem>>, vector<1x128xf32>
    %add3A_20 = vector.broadcast %get3A_19 : vector<1x128xf32> to vector<10240x128xf32>
    %add3A_21 = arith.addf %mul3A_16, %add3A_20 : vector<10240x128xf32>
    %max3A = arith.constant 0.000000e+00 : f32
    %max3A_22 = vector.broadcast %max3A : f32 to vector<10240x128xf32>
    %max3A_23 = arith.maximumf %add3A_21, %max3A_22 : vector<10240x128xf32>
    %get3A_24 = arith.constant 0 : index
    %get3A_25 = arith.constant 0 : index
    %get3A_26 = vector.load %arg4[%get3A_24, %get3A_25] : memref<128x32xf32, #tpu.memory_space<vmem>>, vector<128x32xf32>
    %dot_general3A = arith.constant dense<0.000000e+00> : vector<10240x32xf32>
    %dot_general3A_27 = tpu.matmul %max3A_23, %get3A_26, %dot_general3A {dimension_numbers = #tpu.dot_dimension_numbers<[1], [0], [0], [1], [0, 0, 1, 1], [], []>, transpose_lhs_hint = false} : vector<10240x128xf32>, vector<128x32xf32>, vector<10240x32xf32> -> vector<10240x32xf32>
    %mul3A_28 = vector.broadcast %get3A_1 : vector<10240x1xf32> to vector<10240x32xf32>
    %mul3A_29 = arith.mulf %dot_general3A_27, %mul3A_28 : vector<10240x32xf32>
    %swap3A = arith.constant 0 : index
    %swap3A_30 = arith.constant 0 : index
    %swap3A_31 = vector.load %arg5[%swap3A, %swap3A_30] : memref<10240x32xf32, #tpu.memory_space<vmem>>, vector<10240x32xf32>
    tpu.vector_store %arg5[%swap3A, %swap3A_30], %mul3A_29 {strides = array<i32>} : memref<10240x32xf32, #tpu.memory_space<vmem>>, vector<10240x32xf32>,
    return
  }
}

module attributes {stable_mosaic.version = 14 : i64} {
  func.func @_tc3_body(%arg0: memref<2x10240x32xf32, #tpu.memory_space<vmem>>, %arg1: memref<10240x32xf32, #tpu.memory_space<vmem>>, %arg2: memref<10240x1xf32, #tpu.memory_space<vmem>>, %arg3: memref<1x32xf32, #tpu.memory_space<vmem>>, %arg4: memref<10240x32xf32, #tpu.memory_space<vmem>>) attributes {dimension_semantics = [], scalar_prefetch = 0 : i64, scratch_operands = 0 : i64, tpu.core_type = #tpu.core_type<tc>} {
    %get3A = arith.constant 0 : index
    %get3A_0 = arith.constant 0 : index
    %get3A_1 = arith.constant 0 : index
    %get3A_2 = vector.load %arg0[%get3A, %get3A_0, %get3A_1] : memref<2x10240x32xf32, #tpu.memory_space<vmem>>, vector<1x10240x32xf32>
    %get3A_3 = vector.shape_cast %get3A_2 : vector<1x10240x32xf32> to vector<10240x32xf32>
    %get3A_4 = arith.constant 1 : index
    %get3A_5 = arith.constant 0 : index
    %get3A_6 = arith.constant 0 : index
    %get3A_7 = vector.load %arg0[%get3A_4, %get3A_5, %get3A_6] : memref<2x10240x32xf32, #tpu.memory_space<vmem>>, vector<1x10240x32xf32>
    %get3A_8 = vector.shape_cast %get3A_7 : vector<1x10240x32xf32> to vector<10240x32xf32>
    %add3A = arith.addf %get3A_3, %get3A_8 : vector<10240x32xf32>
    %get3A_9 = arith.constant 0 : index
    %get3A_10 = arith.constant 0 : index
    %get3A_11 = vector.load %arg1[%get3A_9, %get3A_10] : memref<10240x32xf32, #tpu.memory_space<vmem>>, vector<10240x32xf32>
    %add3A_12 = arith.addf %add3A, %get3A_11 : vector<10240x32xf32>
    %get3A_13 = arith.constant 0 : index
    %get3A_14 = arith.constant 0 : index
    %get3A_15 = vector.load %arg2[%get3A_13, %get3A_14] : memref<10240x1xf32, #tpu.memory_space<vmem>>, vector<10240x1xf32>
    %mul3A = vector.broadcast %get3A_15 : vector<10240x1xf32> to vector<10240x32xf32>
    %mul3A_16 = arith.mulf %add3A_12, %mul3A : vector<10240x32xf32>
    %get3A_17 = arith.constant 0 : index
    %get3A_18 = arith.constant 0 : index
    %get3A_19 = vector.load %arg3[%get3A_17, %get3A_18] : memref<1x32xf32, #tpu.memory_space<vmem>>, vector<1x32xf32>
    %add3A_20 = vector.broadcast %get3A_19 : vector<1x32xf32> to vector<10240x32xf32>
    %add3A_21 = arith.addf %mul3A_16, %add3A_20 : vector<10240x32xf32>
    %reduce_max3A = arith.constant dense<0xFF800000> : vector<10240xf32>
    %reduce_max3A_22 = vector.multi_reduction <maximumf>, %add3A_21, %reduce_max3A [1] : vector<10240x32xf32> to vector<10240xf32>
    %broadcast_in_dim3A = vector.shape_cast %reduce_max3A_22 : vector<10240xf32> to vector<10240x1xf32>
    %sub3A = vector.broadcast %broadcast_in_dim3A : vector<10240x1xf32> to vector<10240x32xf32>
    %sub3A_23 = arith.subf %add3A_21, %sub3A : vector<10240x32xf32>
    %exp3A = math.exp %sub3A_23 : vector<10240x32xf32>
    %reduce_sum3A = arith.constant dense<0.000000e+00> : vector<10240xf32>
    %reduce_sum3A_24 = vector.multi_reduction <add>, %exp3A, %reduce_sum3A [1] : vector<10240x32xf32> to vector<10240xf32>
    %broadcast_in_dim3A_25 = vector.shape_cast %reduce_sum3A_24 : vector<10240xf32> to vector<10240x1xf32>
    %log3A = math.log %broadcast_in_dim3A_25 : vector<10240x1xf32>
    %add3A_26 = arith.addf %log3A, %broadcast_in_dim3A : vector<10240x1xf32>
    %sub3A_27 = vector.broadcast %add3A_26 : vector<10240x1xf32> to vector<10240x32xf32>
    %sub3A_28 = arith.subf %add3A_21, %sub3A_27 : vector<10240x32xf32>
    %swap3A = arith.constant 0 : index
    %swap3A_29 = arith.constant 0 : index
    %swap3A_30 = vector.load %arg4[%swap3A, %swap3A_29] : memref<10240x32xf32, #tpu.memory_space<vmem>>, vector<10240x32xf32>
    tpu.vector_store %arg4[%swap3A, %swap3A_29], %sub3A_28 {strides = array<i32>} : memref<10240x32xf32, #tpu.memory_space<vmem>>, vector<10240x32xf32>,
    return
  }
}

</mosaic_0001>

<sc_bundles>
// kernel: kernel.11.cloned.1.call-start
scs
__scs_entry_jumppad:
0x0: {  	(pc) =	sbr.rel $0x88, $3  }
0x1: {  	(tag) =	ssettag $0x0;
	lr =	simm.s32 $0x1  }
0x2: {  	[smem:$0x3F98] =	sst lr;
	_ =	strace $0xD0000000  }
0x3: {  	_ = 	snop  }
0x4: {  	_ = 	snop  }
0x5: {  	_ = 	snop  }
0x6: {  	_ = 	snop  }
0x7: {  	_ = 	snop  }
__scs_overlays_trampoline_lowered:
0x8: {  	[smem:$0x3FA7] =	sst s0  }
0x9: {  	[smem:$0x3FA8] =	sst s1  }
0xa: {  	[smem:$0x3FA9] =	sst s2  }
0xb: {  	[smem:$0x3FAA] =	sst s3  }
0xc: {  	[smem:$0x3FAB] =	sst s4  }
0xd: {  	[smem:$0x3FAC] =	sst s5  }
0xe: {  	[smem:$0x3FAD] =	sst s6  }
0xf: {  	[smem:$0x3FAE] =	sst s7  }
0x10: {  	[smem:$0x3FAF] =	sst s8  }
0x11: {  	[smem:$0x3FB0] =	sst s9;
	s0 =	simm.s32 @!p0 $0x0  }
0x12: {  	s1 =	sld [smem:$0x3F96];
	s0 =	simm.s32 @p0 $0x1  }
0x13: {  	[smem:$0x3FB1] =	sst s0;
	s0 =	simm.s32 @!p1 $0x0  }
0x14: {  	s2 =	sld [smem:$0x3F95];
	s0 =	simm.s32 @p1 $0x1  }
0x15: {  	[smem:$0x3FB2] =	sst s0;
	s0 =	simm.s32 @!p2 $0x0  }
0x16: {  	s3 =	sld [smem:$0x3FDB];
	s0 =	simm.s32 @p2 $0x1  }
0x17: {  	s4 =	simm.s32 $0x1BF5;
	[smem:$0x3FB4] =	sst s0  }
0x18: {  	s0 =	sld [smem:$0x3F97];
	_ =	swait.ge [sflag:s4], $0x0  }
0x19: {  	s7 =	sld [smem:$0x3F98]  }
0x1a: {  	s8 =	sadd.s32 $0xFFFFE003, lr  }
0x1b: {  	s9 =	sadd.s32 $0xFFFFFEF7, lr;
	s5 =	simm.s32 $0xFFFFFFFF;
	p2 =	slt.u32 s8, $0xFFFFF086  }
0x1c: {  	p1 =	slt.u32 s9, $0xF7A;
	s5 =	simm.s32 @!p2 $0x0  }
0x1d: {  	s5 =	simm.s32 @p1 $0x1;
	p0 =	seq.s32 s7, s2  }
0x1e: {  	s7 =	smul.u32 @!p0 $0xF7A, s2;
	p2 =	seq.s32 @!p0 s5, $0x0  }
0x1f: {  	s9 =	smul.u32 $0xF7A, s1;
	s8 =	simm.s32 @!p0 $0x1BF5;
	p2 =	por !p2, p0  }
0x20: {  	[sflag:s8] =	ssyncset.s32 @!p0 $0xFFFFF086;
	s6 =	sadd.s32 @!p0 s3, s7;
	s7 =	simm.s32 @!p0 $0x108  }
0x21: {  	s3 =	sadd.s32 s3, s9;
	s6 =	sadd.s32 @!p0 $0x88, s6;
	s7 =	simm.s32 @p2 $0x1082  }
0x22: {  	[simem:s7], [sflag:s8] =	dma.local @!p0 [hbm:s6], $0xF7A  }
0x23: {  	s9 =	sor.u32 $0xD0000000, s2;
	s6 =	simm.s32 $0x108;
	_ =	swait.ge @!p0 [sflag:s8], $0x0  }
0x24: {  	s3 =	sadd.s32 $0x88, s3;
	s6 =	simm.s32 @!p1 $0x1082;
	[sflag:s4] =	ssyncset.s32 $0xFFFFF086  }
0x25: {  	[simem:s6], [sflag:s4] =	dma.local [hbm:s3], $0xF7A  }
0x26: {  	[smem:$0x3F98] =	sst s1;
	(tag) =	ssettag s2;
	_ =	strace s9  }
0x27: {  	s1 =	sld [smem:$0x3FA8]  }
0x28: {  	s2 =	sld [smem:$0x3FA9]  }
0x29: {  	s4 =	sld [smem:$0x3FAB]  }
0x2a: {  	p0 =	seq.s32 s5, $0x0;
	s5 =	sld [smem:$0x3FAC]  }
0x2b: {  	s6 =	sld [smem:$0x3FAD]  }
0x2c: {  	s7 =	sld [smem:$0x3FAE]  }
0x2d: {  	s3 =	simm.s32 $0x108;
	s8 =	sld [smem:$0x3FAF]  }
0x2e: {  	s3 =	simm.s32 @!p0 $0x1082;
	s9 =	sld [smem:$0x3FB0]  }
0x2f: {  	lr =	sadd.s32 s0, s3;
	s0 =	sld [smem:$0x3FA7]  }
0x30: {  	s3 =	sld [smem:$0x3FAA]  }
0x31: {  	[smem:$0x3FB3] =	sst s10  }
0x32: {  	s10 =	sld [smem:$0x3FB1];
	_ =	sdelay $0x3  }
0x33: {  	p0 =	seq.s32 s10, $0x1;
	s10 =	sld [smem:$0x3FB3];
	_ =	sdelay $0x3  }
0x34: {  	[smem:$0x3FB3] =	sst s10  }
0x35: {  	s10 =	sld [smem:$0x3FB2];
	_ =	sdelay $0x3  }
0x36: {  	p1 =	seq.s32 s10, $0x1;
	s10 =	sld [smem:$0x3FB3];
	_ =	sdelay $0x3  }
0x37: {  	[smem:$0x3FB3] =	sst s10  }
0x38: {  	s10 =	sld [smem:$0x3FB4]  }
0x39: {  	_ = 	snop;
	(pc) =	sbr.ind lr, $3  }
0x3a: {  	_ = 	snop  }
0x3b: {  	_ = 	snop  }
0x3c: {  	p2 =	seq.s32 s10, $0x1;
	s10 =	sld [smem:$0x3FB3]  }
0x3d: {  	_ =	shalt  }
0x3e: {  	_ =	shalt  }
0x3f: {  	_ =	shalt  }
0x40: {  	_ =	shalt  }
0x41: {  	_ =	shalt  }
0x42: {  	_ =	shalt  }
0x43: {  	_ =	shalt  }
0x44: {  	_ =	shalt  }
0x45: {  	_ =	shalt  }
0x46: {  	_ =	shalt  }
0x47: {  	_ =	shalt  }
0x48: {  	_ =	shalt  }
0x49: {  	_ =	shalt  }
0x4a: {  	_ =	shalt  }
0x4b: {  	_ =	shalt  }
0x4c: {  	_ =	shalt  }
0x4d: {  	_ =	shalt  }
0x4e: {  	_ =	shalt  }
0x4f: {  	_ =	shalt  }
0x50: {  	_ =	shalt  }
0x51: {  	_ =	shalt  }
0x52: {  	_ =	shalt  }
0x53: {  	_ =	shalt  }
0x54: {  	_ =	shalt  }
0x55: {  	_ =	shalt  }
0x56: {  	_ =	shalt  }
0x57: {  	_ =	shalt  }
0x58: {  	_ =	shalt  }
0x59: {  	_ =	shalt  }
0x5a: {  	_ =	shalt  }
0x5b: {  	_ =	shalt  }
0x5c: {  	_ =	shalt  }
0x5d: {  	_ =	shalt  }
0x5e: {  	_ =	shalt  }
0x5f: {  	_ =	shalt  }
0x60: {  	_ =	shalt  }
0x61: {  	_ =	shalt  }
0x62: {  	_ =	shalt  }
0x63: {  	_ =	shalt  }
0x64: {  	_ =	shalt  }
0x65: {  	_ =	shalt  }
0x66: {  	_ =	shalt  }
0x67: {  	_ =	shalt  }
0x68: {  	_ =	shalt  }
0x69: {  	_ =	shalt  }
0x6a: {  	_ =	shalt  }
0x6b: {  	_ =	shalt  }
0x6c: {  	_ =	shalt  }
0x6d: {  	_ =	shalt  }
0x6e: {  	_ =	shalt  }
0x6f: {  	_ =	shalt  }
0x70: {  	_ =	shalt  }
0x71: {  	_ =	shalt  }
0x72: {  	_ =	shalt  }
0x73: {  	_ =	shalt  }
0x74: {  	_ =	shalt  }
0x75: {  	_ =	shalt  }
0x76: {  	_ =	shalt  }
0x77: {  	_ =	shalt  }
0x78: {  	_ =	shalt  }
0x79: {  	_ =	shalt  }
0x7a: {  	_ =	shalt  }
0x7b: {  	_ =	shalt  }
0x7c: {  	_ =	shalt  }
0x7d: {  	_ =	shalt  }
0x7e: {  	_ =	shalt  }
0x7f: {  	_ =	shalt  }
0x80: {  	_ =	shalt  }
0x81: {  	_ =	shalt  }
0x82: {  	_ =	shalt  }
0x83: {  	_ =	shalt  }
0x84: {  	_ =	shalt  }
0x85: {  	_ =	shalt  }
0x86: {  	_ =	shalt  }
0x87: {  	_ =	shalt  }
.Lfunc_end0:
.L_simem_size_0:
called_computation.1_lowered:
.L_overlay_start_0:
0x88: {  	s2 =	sld [smem:$0x3FD9]  }
0x89: {  	s3 =	sld [smem:$0x3FFE];
	_ =	sdelay $0x1  }
0x8a: {  	s1 =	srdreg.scid  }
0x8b: {  	s0 =	sand.u32 $0x1, s1  }
0x8c: {  	s16 =	sshll.u32 s0, $0xA;
	s2 =	sadd.s32 s3, s2  }
0x8d: {  	s2 =	sadd.s32 s2, s16  }
0x8e: {  	[smem:$0x3FBF] =	sst s2  }
0x8f: {  	_ = 	snop  }
0x90: {  	(tm) =	ssettm $0x1  }
0x91: {  	s17 =	sld [smem:$0x3FFB];
	_ =	sdelay $0x3  }
0x92: {  	_ =	strace s17  }
0x93: {  	s2 =	sld [smem:$0x3FFC];
	_ =	sdelay $0x3  }
0x94: {  	_ =	strace s2  }
0x95: {  	s2 =	sld [smem:$0x3FFD];
	_ =	sdelay $0x3  }
0x96: {  	_ =	strace s2  }
0x97: {  	_ =	strace $0x8FFFFFFF  }
0x98: {  	s18 =	sld [smem:$0x3FDB];
	_ =	sdelay $0x1  }
0x99: {  	s19 =	simm.s32 $_scs_section_size  }
0x9a: {  	s4 =	simm.s32 $_size__tile_overlayer_lowered;
	s5 =	simm.s32 $_tile_overlayer_lowered  }
0x9b: {  	s22 =	simm.s32 $0x1BFF;
	s21 =	sshll.u32 s5, $0x1;
	s2 =	sadd.s32 s19, s18  }
0x9c: {  	s6 =	simm.s32 $0x0;
	s20 =	sshll.u32 s4, $0x1;
	s4 =	sadd.s32 s21, s2  }
0x9d: {  	[timem:s6], [sflag:s22] =	dma.local [hbm:s4], s20  }
0x9e: {  	_ =	swait.ge [sflag:s22], s20  }
0x9f: {  	s3 =	ssub.s32 $0x0, s20;
	[sflag:s22] =	ssyncset.done $0x0  }
0xa0: {  	[sflag:s22] =	ssyncadd.s32 s3;
	_ =	sdelay $0x1  }
0xa1: {  	s23 =	simm.s32 $0x1B8B  }
0xa2: {  	_ =	swait.ge [sflag:s23], $0x1  }
0xa3: {  	[sflag:s23] =	ssyncset.done $0x0  }
0xa4: {  	s25 =	simm.s32 $0x1B8E;
	s24 =	sld [smem:$0x3FFE];
	[sflag:s23] =	ssyncadd.s32 $0xFFFFFFFF  }
0xa5: {  	s26 =	simm.s32 $execute0_lowered;
	[smem:$0x3FD2] =	sst s25  }
0xa6: {  	s4 =	sshll.u32 s26, $0x1;
	_ =	strace $0x80000049;
	[dreg:$0x1] =	wrdreg $0xFFFFFFFF  }
0xa7: {  	s28 =	simm.s32 $_size_execute0_lowered;
	s2 =	sadd.s32 s2, s4;
	[dreg:$0x0] =	wrdreg $0x0  }
0xa8: {  	s4 =	sshll.u32 s28, $0x1;
	[dreg:$0x2] =	wrdreg s2  }
0xa9: {  	[dreg:$0x3] =	wrdreg s4  }
0xaa: {  	[dreg:$0x4] =	wrdreg $0xC0  }
0xab: {  	_ =	task [dreg:s6], $0x5FFFF  }
0xac: {  	[dreg:$0x1] =	wrdreg $0xFFFFFFFF  }
0xad: {  	[dreg:$0x0] =	wrdreg $0x60  }
0xae: {  	[dreg:$0x2] =	wrdreg s24  }
0xaf: {  	[dreg:$0x3] =	wrdreg $0x90000  }
0xb0: {  	[dreg:$0x4] =	wrdreg $0x9  }
0xb1: {  	_ =	task.clear_ibuf [dreg:s6], $0x5FFFF;
	_ =	strace $0x90000049  }
0xb2: {  	s29 =	simm.s32 $0x9;
	_ =	strace $0x8000004B  }
0xb3: {  	_ =	swait.ge [sflag:s29], $0x1  }
0xb4: {  	[sflag:s29] =	ssyncadd.s32 $0xFFFFFFFF  }
0xb5: {  	_ =	strace $0x9000004B  }
0xb6: {  	_ =	sfence  }
0xb7: {  	s30 =	sld [smem:$0x0];
	_ =	sdelay $0x2  }
0xb8: {  	s31 =	sshll.u32 s1, $0xD;
	s1 =	sshrl.u32 s1, $0x2  }
0xb9: {  	s3 =	sand.u32 $0x4000, s31;
	s1 =	sadd.s32 s1, s30  }
0xba: {  	s0 =	sor.u32 s3, s0;
	s1 =	sshll.u32 s1, $0x11  }
0xbb: {  	s0 =	sor.u32 s1, s0  }
0xbc: {  	s0 =	sadd.s32 $0x8F2B, s0  }
0xbd: {  	[sflag:s0] =	ssyncadd.remote.s32 $0x1  }
0xbe: {  	_ =	sfence.sel $0xFFFF  }
0xbf: {  	[dreg:$0x0] =	wrdreg $0xFFFFFFFF;
	(pc) =	sbr.abs _section_cstart, $3  }
0xc0: {  	[dreg:$0x1] =	wrdreg $0xFFFFFFFF  }
0xc1: {  	_ =	task.clear_ibuf [dreg:s6], $0x2FFFF;
	_ =	strace $0x9FFFFFFF  }
0xc2: {  	(tm) =	ssettm $0x7FFFFFFF  }
0xc3: {  	_ =	shalt  }
tec
execute0_lowered:
.L_overlay_start_1:
0x0: {  	(tag) =	ssettag $0x1  }
0x1: {  	s0 =	srdreg.scid  }
0x2: {  	s6 =	rddreg [dreg:$0x0];
	s5 =	sand.u32 $0x1, s0  }
0x3: {  	s0 =	stileid.u32;
	s7 =	smul.u32 $0x28000, s5  }
0x4: {  	s2 =	rddreg [dreg:$0x1];
	s3 =	simm.s32 $0x0;
	s8 =	smul.u32 $0x50000, s0  }
0x5: {  	[smem:$0x7FF] =	sst s3;
	s1 =	sshll.u32 s5, $0x4;
	s13 =	smul.u32 $0x280, s0  }
0x6: {  	s5 =	ssub.s32 $0x2, s5;
	s16 =	smul.u32 $0x2800, s0;
	s4 =	sor.u32 s0, s1  }
0x7: {  	s1 =	rddreg [dreg:$0x2];
	_ =	strace $0x8000004A;
	s24 =	sshrl.u32 s5, $0x1  }
0x8: {  	s4 =	smul.u32 $0x500, s4;
	s10 =	sadd.s32 s7, s6;
	s25 =	sshrl.u32 s8, $0x2  }
0x9: {  	s26 =	ssub.s32 s5, s24;
	s14 =	sadd.s32 $0x80, s13;
	s17 =	sadd.s32 $0x100, s13  }
0xa: {  	s29 =	sadd.s32 $0x180, s13;
	s13 =	sadd.s32 $0x200, s13;
	s5 =	sadd.s32 s25, s2  }
0xb: {  	s20 =	sadd.s32 $0x70E00, s10;
	s8 =	smax.u32 s26, $0x1;
	s15 =	sshll.u32 s14, $0x7  }
0xc: {  	s18 =	sshll.u32 s14, $0x4;
	s28 =	sshll.u32 s17, $0x7;
	s19 =	sshll.u32 s17, $0x4  }
0xd: {  	s30 =	sshll.u32 s29, $0x7;
	s31 =	sshll.u32 s13, $0x7;
	s21 =	sshll.u32 s29, $0x4  }
0xe: {  	s26 =	sshll.u32 s13, $0x4;
	s13 =	simm.s32 $0x5000;
	s14 =	simm.s32 $0x2  }
0xf: {  	s9 =	sadd.s32 s4, s6;
	s4 =	sadd.s32 $0x16E00, s6;
	s10 =	sadd.s32 $0x8000, s5  }
0x10: {  	s11 =	sadd.s32 $0xC000, s5;
	s12 =	sadd.s32 $0x10000, s5;
	s22 =	sadd.s32 s15, s2  }
0x11: {  	s23 =	sadd.s32 s28, s2;
	s24 =	sadd.s32 s30, s2;
	s25 =	sadd.s32 s31, s2  }
0x12: {  	s15 =	simm.s32 $0x2800;
	s16 =	sadd.s32 s16, s20;
	s17 =	sadd.s32 s18, s20  }
0x13: {  	s18 =	sadd.s32 s19, s20;
	s19 =	sadd.s32 s21, s20;
	s20 =	sadd.s32 s26, s20  }
0x14: {  	s21 =	simm.s32 $0x80;
	s26 =	simm.s32 $0x1;
	s6 =	sadd.s32 $0x66E00, s9  }
0x15: {  	s7 =	sadd.s32 $0xCE00, s9;
	s9 =	sadd.s32 $0x4000, s5;
	s22 =	sshrl.u32 s22, $0x3  }
0x16: {  	v0 =	vimm.f32 $0.0e+00;
	s23 =	sshrl.u32 s23, $0x3;
	s24 =	sshrl.u32 s24, $0x3;
	s25 =	sshrl.u32 s25, $0x3  }
.LBB2_1:
0x17: {  	s28 =	simm.s32 $0x0;
	s29 =	simm.s32 $0x200  }
.LBB2_2:
0x18: {  	p0 =	sne.s32 s29, $0xFE00;
	[tilespmem:s28+$0x5070] =	vst v0  }
0x19: {  	[tilespmem:s28+$0x5000] =	vst v0  }
0x1a: {  	[tilespmem:s28+$0x5010] =	vst v0  }
.Ltmp0:
0x1b: {  	[tilespmem:s28+$0x5020] =	vst v0;
	(pc) =	sbr.rel @p0 .LBB2_2-.Ltmp0, $4  }
0x1c: {  	[tilespmem:s28+$0x5030] =	vst v0  }
0x1d: {  	[tilespmem:s28+$0x5040] =	vst v0  }
0x1e: {  	[tilespmem:s28+$0x5050] =	vst v0  }
0x1f: {  	[tilespmem:s28+$0x5060] =	vst v0;
	s28 =	sshra.s32 s29, $0x2;
	s29 =	sadd.s32 $0x200, s29  }
0x20: {  	[tilespmem:s28+$0x5070] =	vst v0  }
0x21: {  	[tilespmem:s28+$0x5000] =	vst v0  }
0x22: {  	[tilespmem:s28+$0x5010] =	vst v0  }
0x23: {  	[tilespmem:s28+$0x5020] =	vst v0  }
0x24: {  	[tilespmem:s28+$0x5030] =	vst v0  }
0x25: {  	[tilespmem:s28+$0x5040] =	vst v0  }
0x26: {  	[tilespmem:s28+$0x5050] =	vst v0  }
0x27: {  	[tilespmem:s28+$0x5060] =	vst v0  }
0x28: {  	[spmem:s5] =	stream.linear.scatter [tilespmem:s13], [sflag:$0x2], $0x4000, $0x38;
	[tilespmem:$0x1D000] =	vst v63  }
0x29: {  	_ =	swait.ge [sflag:s14], $0x4000  }
0x2a: {  	[sflag:s14] =	ssyncset.done $0x0  }
0x2b: {  	[sflag:s14] =	ssyncadd.s32 $0xFFFFC000  }
0x2c: {  	[spmem:s9] =	stream.linear.scatter [tilespmem:s13], [sflag:$0x2], $0x4000, $0x38;
	[tilespmem:$0x1D000] =	vst v63  }
0x2d: {  	_ =	swait.ge [sflag:s14], $0x4000  }
0x2e: {  	[sflag:s14] =	ssyncset.done $0x0  }
0x2f: {  	[sflag:s14] =	ssyncadd.s32 $0xFFFFC000  }
0x30: {  	[spmem:s10] =	stream.linear.scatter [tilespmem:s13], [sflag:$0x2], $0x4000, $0x38;
	[tilespmem:$0x1D000] =	vst v63  }
0x31: {  	_ =	swait.ge [sflag:s14], $0x4000  }
0x32: {  	[sflag:s14] =	ssyncset.done $0x0  }
0x33: {  	[sflag:s14] =	ssyncadd.s32 $0xFFFFC000  }
0x34: {  	[spmem:s11] =	stream.linear.scatter [tilespmem:s13], [sflag:$0x2], $0x4000, $0x38;
	[tilespmem:$0x1D000] =	vst v63  }
0x35: {  	_ =	swait.ge [sflag:s14], $0x4000  }
0x36: {  	[sflag:s14] =	ssyncset.done $0x0  }
0x37: {  	[sflag:s14] =	ssyncadd.s32 $0xFFFFC000  }
0x38: {  	[spmem:s12] =	stream.linear.scatter [tilespmem:s13], [sflag:$0x2], $0x4000, $0x38;
	[tilespmem:$0x1D000] =	vst v63  }
0x39: {  	_ =	swait.ge [sflag:s14], $0x4000  }
0x3a: {  	[sflag:s14] =	ssyncset.done $0x0  }
0x3b: {  	[sflag:s14] =	ssyncadd.s32 $0xFFFFC000  }
0x3c: {  	s28 =	simm.s32 $0x0;
	[bflag:$0x0] =	sbarrier.arrive $0xFFFF  }
0x3d: {  	[tilespmem:s28], [sflag:$0x2] =	stream.linear.gather [hbm4b:s6+s28], $0x2780, $0x38;
	[tilespmem:$0x1D000] =	vst v63  }
0x3e: {  	_ =	swait.ge [sflag:s14], $0x2780  }
0x3f: {  	[sflag:s14] =	ssyncset.done $0x0  }
0x40: {  	[sflag:s14] =	ssyncadd.s32 $0xFFFFD880  }
0x41: {  	[tilespmem:s15], [sflag:$0x2] =	stream.linear.gather [hbm4b:s7+s28], $0x2780, $0x38;
	[tilespmem:$0x1D000] =	vst v63  }
0x42: {  	_ =	swait.ge [sflag:s14], $0x2780  }
0x43: {  	[sflag:s14] =	ssyncset.done $0x0  }
0x44: {  	s28 =	simm.s32 $0x0;
	[sflag:s14] =	ssyncadd.s32 $0xFFFFD880  }
0x45: {  	[tilespmem:s13], [sflag:$0x1] =	stream.indirect.gather [hbm4b:s4+s21], $0x80, s28, s21, $0xb8;
	[tilespmem:$0x1D000] =	vst v63  }
0x46: {  	_ =	swait.ge [sflag:s26], $0x4000  }
0x47: {  	[sflag:s26] =	ssyncset.done $0x0  }
0x48: {  	s28 =	simm.s32 $0x2800;
	[sflag:s26] =	ssyncadd.s32 $0xFFFFC000  }
0x49: {  	[spmem:s2] =	stream.indirect.scatter.add.f32 [tilespmem:s13], [sflag:$0x2], $0x80, s28, s21, $0xb8;
	[tilespmem:$0x1D000] =	vst v63  }
0x4a: {  	_ =	swait.ge [sflag:s14], $0x4000  }
0x4b: {  	s29 =	simm.s32 $0x400;
	s28 =	simm.s32 $0x200;
	[sflag:s14] =	ssyncset.done $0x0  }
.LBB2_4:
0x4c: {  	s30 =	sshra.s32 s28, $0x2  }
0x4d: {  	[sflag:s14] =	ssyncadd.s32 $0xFFFFC000;
	s28 =	smov.u32 s29;
	s31 =	sadd.s32 $0x200, s29  }
0x4e: {  	[tilespmem:s13], [sflag:$0x1] =	stream.indirect.gather [hbm4b:s4+s21], $0x80, s30, s21, $0xb8;
	[tilespmem:$0x1D000] =	vst v63  }
0x4f: {  	p0 =	sne.s32 s29, $0x9C00;
	_ =	swait.ge [sflag:s26], $0x4000  }
.Ltmp1:
0x50: {  	[sflag:s26] =	ssyncset.done $0x0;
	(pc) =	sbr.rel @p0 .LBB2_4-.Ltmp1, $4  }
0x51: {  	s29 =	sadd.s32 $0x2800, s30;
	[sflag:s26] =	ssyncadd.s32 $0xFFFFC000  }
0x52: {  	[spmem:s2] =	stream.indirect.scatter.add.f32 [tilespmem:s13], [sflag:$0x2], $0x80, s29, s21, $0xb8;
	[tilespmem:$0x1D000] =	vst v63  }
0x53: {  	_ =	swait.ge [sflag:s14], $0x4000  }
0x54: {  	s29 =	smov.u32 s31;
	[sflag:s14] =	ssyncset.done $0x0  }
0x55: {  	s28 =	sshra.s32 s28, $0x2;
	[sflag:s14] =	ssyncadd.s32 $0xFFFFC000  }
0x56: {  	[tilespmem:s13], [sflag:$0x1] =	stream.indirect.gather [hbm4b:s4+s21], $0x80, s28, s21, $0xb8;
	[tilespmem:$0x1D000] =	vst v63  }
0x57: {  	_ =	swait.ge [sflag:s26], $0x4000  }
0x58: {  	[sflag:s26] =	ssyncset.done $0x0  }
0x59: {  	s28 =	sadd.s32 $0x2800, s28;
	[sflag:s26] =	ssyncadd.s32 $0xFFFFC000  }
0x5a: {  	[spmem:s2] =	stream.indirect.scatter.add.f32 [tilespmem:s13], [sflag:$0x2], $0x80, s28, s21, $0xb8;
	[tilespmem:$0x1D000] =	vst v63  }
0x5b: {  	_ =	swait.ge [sflag:s14], $0x4000  }
0x5c: {  	[sflag:s14] =	ssyncset.done $0x0  }
0x5d: {  	s31 =	sshll.u32 s0, $0x6;
	[sflag:s14] =	ssyncadd.s32 $0xFFFFC000  }
0x5e: {  	s29 =	sshrl.u32 s5, $0x3;
	s28 =	sor.u32 $0x1C02, s31;
	[bflag:$0x0] =	sbarrier.arrive $0xFFFF  }
0x5f: {  	[hbm:s16], [sflag:s28] =	dma.local [spmem:s29], $0x800  }
0x60: {  	_ =	swait.ge [sflag:s14], $0x800  }
0x61: {  	[sflag:s14] =	ssyncset.done $0x0  }
0x62: {  	[sflag:s14] =	ssyncadd.s32 $0xFFFFF800  }
0x63: {  	[hbm:s17], [sflag:s28] =	dma.local [spmem:s22], $0x800  }
0x64: {  	_ =	swait.ge [sflag:s14], $0x800  }
0x65: {  	[sflag:s14] =	ssyncset.done $0x0  }
0x66: {  	[sflag:s14] =	ssyncadd.s32 $0xFFFFF800  }
0x67: {  	[hbm:s18], [sflag:s28] =	dma.local [spmem:s23], $0x800  }
0x68: {  	_ =	swait.ge [sflag:s14], $0x800  }
0x69: {  	[sflag:s14] =	ssyncset.done $0x0  }
0x6a: {  	[sflag:s14] =	ssyncadd.s32 $0xFFFFF800  }
0x6b: {  	[hbm:s19], [sflag:s28] =	dma.local [spmem:s24], $0x800  }
0x6c: {  	s3 =	sadd.s32 $0x1, s3;
	_ =	swait.ge [sflag:s14], $0x800  }
0x6d: {  	p0 =	sne.s32 s3, s8;
	[sflag:s14] =	ssyncset.done $0x0  }
.Ltmp2:
0x6e: {  	[sflag:s14] =	ssyncadd.s32 $0xFFFFF800;
	(pc) =	sbr.rel @p0 .LBB2_1-.Ltmp2, $4  }
0x6f: {  	[hbm:s20], [sflag:s28] =	dma.local [spmem:s25], $0x800  }
0x70: {  	_ =	swait.ge [sflag:s14], $0x800  }
0x71: {  	[sflag:s14] =	ssyncset.done $0x0  }
0x72: {  	[sflag:s14] =	ssyncadd.s32 $0xFFFFF800  }
0x73: {  	_ =	sfence.sel $0x180000  }
0x74: {  	[bflag:$0x0] =	sbarrier.arrive $0xFFFF  }
0x75: {  	p0 =	sne.s32 s0, $0x0;
	_ =	strace $0x9000004A  }
0x76: {  	s0 =	sadd.s32 @!p0 $0x100000, s1;
	[bflag:$0x2] =	sbarrier.arrive $0xFFFF  }
0x77: {  	[sflag:s0] =	ssyncadd.tile.s32 @!p0 $0x1;
	_ =	shalt  }
.Lfunc_end2:
_tile_overlayer_lowered:
.L_overlay_start_2:
0x78: {  	(tag) =	ssettag $0x2  }
0x79: {  	s0 =	rddreg [dreg:$0x0];
	s2 =	stileid.u32  }
0x7a: {  	s1 =	rddreg [dreg:$0x1];
	p0 =	sne.s32 s2, $0x0  }
0x7b: {  	s3 =	rddreg [dreg:$0x2];
	[bflag:$0x3] =	sbarrier.arrive $0xFFFF;
	s2 =	simm.s32 @!p0 $0x1C02  }
0x7c: {  	[timem:s3], [sflag:s2] =	dma.local @!p0 [hbm:s0], s1  }
0x7d: {  	s0 =	simm.s32 @!p0 $0x2  }
0x7e: {  	_ =	swait.ge @!p0 [sflag:s0], s1  }
0x7f: {  	s1 =	ssub.s32 @!p0 $0x0, s1;
	[sflag:s0] =	ssyncset.done @!p0 $0x0  }
0x80: {  	[sflag:s0] =	ssyncadd.s32 @!p0 s1  }
0x81: {  	[bflag:$0x3] =	sbarrier.arrive $0xFFFF  }
0x82: {  	_ =	shalt  }

// kernel: kernel.14.cloned.1.call-start
scs
__scs_entry_jumppad:
0x0: {  	(pc) =	sbr.rel $0x88, $3  }
0x1: {  	(tag) =	ssettag $0x0;
	lr =	simm.s32 $0x1  }
0x2: {  	[smem:$0x3F98] =	sst lr;
	_ =	strace $0xD0000000  }
0x3: {  	_ = 	snop  }
0x4: {  	_ = 	snop  }
0x5: {  	_ = 	snop  }
0x6: {  	_ = 	snop  }
0x7: {  	_ = 	snop  }
__scs_overlays_trampoline_lowered:
0x8: {  	[smem:$0x3FA7] =	sst s0  }
0x9: {  	[smem:$0x3FA8] =	sst s1  }
0xa: {  	[smem:$0x3FA9] =	sst s2  }
0xb: {  	[smem:$0x3FAA] =	sst s3  }
0xc: {  	[smem:$0x3FAB] =	sst s4  }
0xd: {  	[smem:$0x3FAC] =	sst s5  }
0xe: {  	[smem:$0x3FAD] =	sst s6  }
0xf: {  	[smem:$0x3FAE] =	sst s7  }
0x10: {  	[smem:$0x3FAF] =	sst s8  }
0x11: {  	[smem:$0x3FB0] =	sst s9;
	s0 =	simm.s32 @!p0 $0x0  }
0x12: {  	s1 =	sld [smem:$0x3F96];
	s0 =	simm.s32 @p0 $0x1  }
0x13: {  	[smem:$0x3FB1] =	sst s0;
	s0 =	simm.s32 @!p1 $0x0  }
0x14: {  	s2 =	sld [smem:$0x3F95];
	s0 =	simm.s32 @p1 $0x1  }
0x15: {  	[smem:$0x3FB2] =	sst s0;
	s0 =	simm.s32 @!p2 $0x0  }
0x16: {  	s3 =	sld [smem:$0x3FDB];
	s0 =	simm.s32 @p2 $0x1  }
0x17: {  	s4 =	simm.s32 $0x1BF5;
	[smem:$0x3FB4] =	sst s0  }
0x18: {  	s0 =	sld [smem:$0x3F97];
	_ =	swait.ge [sflag:s4], $0x0  }
0x19: {  	s7 =	sld [smem:$0x3F98]  }
0x1a: {  	s8 =	sadd.s32 $0xFFFFE003, lr  }
0x1b: {  	s9 =	sadd.s32 $0xFFFFFEF7, lr;
	s5 =	simm.s32 $0xFFFFFFFF;
	p2 =	slt.u32 s8, $0xFFFFF086  }
0x1c: {  	p1 =	slt.u32 s9, $0xF7A;
	s5 =	simm.s32 @!p2 $0x0  }
0x1d: {  	s5 =	simm.s32 @p1 $0x1;
	p0 =	seq.s32 s7, s2  }
0x1e: {  	s7 =	smul.u32 @!p0 $0xF7A, s2;
	p2 =	seq.s32 @!p0 s5, $0x0  }
0x1f: {  	s9 =	smul.u32 $0xF7A, s1;
	s8 =	simm.s32 @!p0 $0x1BF5;
	p2 =	por !p2, p0  }
0x20: {  	[sflag:s8] =	ssyncset.s32 @!p0 $0xFFFFF086;
	s6 =	sadd.s32 @!p0 s3, s7;
	s7 =	simm.s32 @!p0 $0x108  }
0x21: {  	s3 =	sadd.s32 s3, s9;
	s6 =	sadd.s32 @!p0 $0x88, s6;
	s7 =	simm.s32 @p2 $0x1082  }
0x22: {  	[simem:s7], [sflag:s8] =	dma.local @!p0 [hbm:s6], $0xF7A  }
0x23: {  	s9 =	sor.u32 $0xD0000000, s2;
	s6 =	simm.s32 $0x108;
	_ =	swait.ge @!p0 [sflag:s8], $0x0  }
0x24: {  	s3 =	sadd.s32 $0x88, s3;
	s6 =	simm.s32 @!p1 $0x1082;
	[sflag:s4] =	ssyncset.s32 $0xFFFFF086  }
0x25: {  	[simem:s6], [sflag:s4] =	dma.local [hbm:s3], $0xF7A  }
0x26: {  	[smem:$0x3F98] =	sst s1;
	(tag) =	ssettag s2;
	_ =	strace s9  }
0x27: {  	s1 =	sld [smem:$0x3FA8]  }
0x28: {  	s2 =	sld [smem:$0x3FA9]  }
0x29: {  	s4 =	sld [smem:$0x3FAB]  }
0x2a: {  	p0 =	seq.s32 s5, $0x0;
	s5 =	sld [smem:$0x3FAC]  }
0x2b: {  	s6 =	sld [smem:$0x3FAD]  }
0x2c: {  	s7 =	sld [smem:$0x3FAE]  }
0x2d: {  	s3 =	simm.s32 $0x108;
	s8 =	sld [smem:$0x3FAF]  }
0x2e: {  	s3 =	simm.s32 @!p0 $0x1082;
	s9 =	sld [smem:$0x3FB0]  }
0x2f: {  	lr =	sadd.s32 s0, s3;
	s0 =	sld [smem:$0x3FA7]  }
0x30: {  	s3 =	sld [smem:$0x3FAA]  }
0x31: {  	[smem:$0x3FB3] =	sst s10  }
0x32: {  	s10 =	sld [smem:$0x3FB1];
	_ =	sdelay $0x3  }
0x33: {  	p0 =	seq.s32 s10, $0x1;
	s10 =	sld [smem:$0x3FB3];
	_ =	sdelay $0x3  }
0x34: {  	[smem:$0x3FB3] =	sst s10  }
0x35: {  	s10 =	sld [smem:$0x3FB2];
	_ =	sdelay $0x3  }
0x36: {  	p1 =	seq.s32 s10, $0x1;
	s10 =	sld [smem:$0x3FB3];
	_ =	sdelay $0x3  }
0x37: {  	[smem:$0x3FB3] =	sst s10  }
0x38: {  	s10 =	sld [smem:$0x3FB4]  }
0x39: {  	_ = 	snop;
	(pc) =	sbr.ind lr, $3  }
0x3a: {  	_ = 	snop  }
0x3b: {  	_ = 	snop  }
0x3c: {  	p2 =	seq.s32 s10, $0x1;
	s10 =	sld [smem:$0x3FB3]  }
0x3d: {  	_ =	shalt  }
0x3e: {  	_ =	shalt  }
0x3f: {  	_ =	shalt  }
0x40: {  	_ =	shalt  }
0x41: {  	_ =	shalt  }
0x42: {  	_ =	shalt  }
0x43: {  	_ =	shalt  }
0x44: {  	_ =	shalt  }
0x45: {  	_ =	shalt  }
0x46: {  	_ =	shalt  }
0x47: {  	_ =	shalt  }
0x48: {  	_ =	shalt  }
0x49: {  	_ =	shalt  }
0x4a: {  	_ =	shalt  }
0x4b: {  	_ =	shalt  }
0x4c: {  	_ =	shalt  }
0x4d: {  	_ =	shalt  }
0x4e: {  	_ =	shalt  }
0x4f: {  	_ =	shalt  }
0x50: {  	_ =	shalt  }
0x51: {  	_ =	shalt  }
0x52: {  	_ =	shalt  }
0x53: {  	_ =	shalt  }
0x54: {  	_ =	shalt  }
0x55: {  	_ =	shalt  }
0x56: {  	_ =	shalt  }
0x57: {  	_ =	shalt  }
0x58: {  	_ =	shalt  }
0x59: {  	_ =	shalt  }
0x5a: {  	_ =	shalt  }
0x5b: {  	_ =	shalt  }
0x5c: {  	_ =	shalt  }
0x5d: {  	_ =	shalt  }
0x5e: {  	_ =	shalt  }
0x5f: {  	_ =	shalt  }
0x60: {  	_ =	shalt  }
0x61: {  	_ =	shalt  }
0x62: {  	_ =	shalt  }
0x63: {  	_ =	shalt  }
0x64: {  	_ =	shalt  }
0x65: {  	_ =	shalt  }
0x66: {  	_ =	shalt  }
0x67: {  	_ =	shalt  }
0x68: {  	_ =	shalt  }
0x69: {  	_ =	shalt  }
0x6a: {  	_ =	shalt  }
0x6b: {  	_ =	shalt  }
0x6c: {  	_ =	shalt  }
0x6d: {  	_ =	shalt  }
0x6e: {  	_ =	shalt  }
0x6f: {  	_ =	shalt  }
0x70: {  	_ =	shalt  }
0x71: {  	_ =	shalt  }
0x72: {  	_ =	shalt  }
0x73: {  	_ =	shalt  }
0x74: {  	_ =	shalt  }
0x75: {  	_ =	shalt  }
0x76: {  	_ =	shalt  }
0x77: {  	_ =	shalt  }
0x78: {  	_ =	shalt  }
0x79: {  	_ =	shalt  }
0x7a: {  	_ =	shalt  }
0x7b: {  	_ =	shalt  }
0x7c: {  	_ =	shalt  }
0x7d: {  	_ =	shalt  }
0x7e: {  	_ =	shalt  }
0x7f: {  	_ =	shalt  }
0x80: {  	_ =	shalt  }
0x81: {  	_ =	shalt  }
0x82: {  	_ =	shalt  }
0x83: {  	_ =	shalt  }
0x84: {  	_ =	shalt  }
0x85: {  	_ =	shalt  }
0x86: {  	_ =	shalt  }
0x87: {  	_ =	shalt  }
.Lfunc_end0:
.L_simem_size_0:
called_computation.2_lowered:
.L_overlay_start_0:
0x88: {  	s2 =	sld [smem:$0x3FD9]  }
0x89: {  	s3 =	sld [smem:$0x3FFE];
	_ =	sdelay $0x1  }
0x8a: {  	s1 =	srdreg.scid  }
0x8b: {  	s0 =	sand.u32 $0x1, s1  }
0x8c: {  	s17 =	sshll.u32 s0, $0xA;
	s2 =	sadd.s32 s3, s2  }
0x8d: {  	s2 =	sadd.s32 s2, s17  }
0x8e: {  	[smem:$0x3FBF] =	sst s2  }
0x8f: {  	_ = 	snop  }
0x90: {  	s2 =	sld [smem:$0x3FD0];
	(tm) =	ssettm $0x1  }
0x91: {  	s18 =	sld [smem:$0x3FFB];
	_ =	sdelay $0x3  }
0x92: {  	_ =	strace s18  }
0x93: {  	s3 =	sld [smem:$0x3FFC];
	_ =	sdelay $0x3  }
0x94: {  	_ =	strace s3  }
0x95: {  	s3 =	sld [smem:$0x3FFD];
	_ =	sdelay $0x3  }
0x96: {  	_ =	strace s3  }
0x97: {  	_ =	strace $0x8FFFFFFF  }
0x98: {  	s19 =	sld [smem:$0x3FDB];
	_ =	sdelay $0x1  }
0x99: {  	s4 =	simm.s32 $_scs_section_size  }
0x9a: {  	s5 =	simm.s32 $_size__tile_overlayer_lowered;
	s6 =	simm.s32 $_tile_overlayer_lowered  }
0x9b: {  	s22 =	simm.s32 $0x1BFF;
	s21 =	sshll.u32 s6, $0x1;
	s3 =	sadd.s32 s4, s19  }
0x9c: {  	s7 =	simm.s32 $0x0;
	s20 =	sshll.u32 s5, $0x1;
	s5 =	sadd.s32 s21, s3  }
0x9d: {  	[timem:s7], [sflag:s22] =	dma.local [hbm:s5], s20  }
0x9e: {  	_ =	swait.ge [sflag:s22], s20  }
0x9f: {  	s4 =	ssub.s32 $0x0, s20;
	[sflag:s22] =	ssyncset.done $0x0  }
0xa0: {  	[sflag:s22] =	ssyncadd.s32 s4;
	_ =	sdelay $0x1  }
0xa1: {  	s23 =	simm.s32 $0x1B8B  }
0xa2: {  	_ =	swait.ge [sflag:s23], $0x1  }
0xa3: {  	[sflag:s23] =	ssyncset.done $0x0  }
0xa4: {  	s25 =	simm.s32 $0x1B8E;
	s24 =	sld [smem:$0x3FFE];
	[sflag:s23] =	ssyncadd.s32 $0xFFFFFFFF  }
0xa5: {  	s26 =	simm.s32 $execute0_lowered;
	[smem:$0x3FD2] =	sst s25  }
0xa6: {  	s5 =	sshll.u32 s26, $0x1;
	_ =	strace $0x8000004C;
	[dreg:$0x1] =	wrdreg $0xFFFFFFFF  }
0xa7: {  	s28 =	simm.s32 $_size_execute0_lowered;
	s3 =	sadd.s32 s3, s5;
	[dreg:$0x0] =	wrdreg $0x0  }
0xa8: {  	s5 =	sshll.u32 s28, $0x1;
	[dreg:$0x2] =	wrdreg s3  }
0xa9: {  	[dreg:$0x3] =	wrdreg s5  }
0xaa: {  	[dreg:$0x4] =	wrdreg $0xC0  }
0xab: {  	_ =	task [dreg:s7], $0x5FFFF  }
0xac: {  	[dreg:$0x1] =	wrdreg $0xFFFFFFFF  }
0xad: {  	[dreg:$0x0] =	wrdreg $0x60  }
0xae: {  	[dreg:$0x2] =	wrdreg s2  }
0xaf: {  	[dreg:$0x3] =	wrdreg s24  }
0xb0: {  	[dreg:$0x4] =	wrdreg $0x5F000  }
0xb1: {  	[dreg:$0x5] =	wrdreg $0x9  }
0xb2: {  	_ =	task.clear_ibuf [dreg:s7], $0x6FFFF;
	_ =	strace $0x9000004C  }
0xb3: {  	s29 =	simm.s32 $0x9;
	_ =	strace $0x8000004E  }
0xb4: {  	_ =	swait.ge [sflag:s29], $0x1  }
0xb5: {  	[sflag:s29] =	ssyncadd.s32 $0xFFFFFFFF  }
0xb6: {  	_ =	strace $0x9000004E  }
0xb7: {  	_ =	sfence  }
0xb8: {  	s30 =	sld [smem:$0x0];
	_ =	sdelay $0x2  }
0xb9: {  	s31 =	sshll.u32 s1, $0xD;
	s1 =	sshrl.u32 s1, $0x2  }
0xba: {  	s3 =	sand.u32 $0x4000, s31;
	s1 =	sadd.s32 s1, s30  }
0xbb: {  	s0 =	sor.u32 s3, s0;
	s1 =	sshll.u32 s1, $0x11  }
0xbc: {  	s0 =	sor.u32 s1, s0  }
0xbd: {  	s0 =	sadd.s32 $0x8F2B, s0  }
0xbe: {  	[sflag:s0] =	ssyncadd.remote.s32 $0x1  }
0xbf: {  	_ =	sfence.sel $0xFFFF  }
0xc0: {  	[dreg:$0x0] =	wrdreg $0xFFFFFFFF;
	(pc) =	sbr.abs _section_cstart, $3  }
0xc1: {  	[dreg:$0x1] =	wrdreg $0xFFFFFFFF  }
0xc2: {  	_ =	task.clear_ibuf [dreg:s7], $0x2FFFF;
	_ =	strace $0x9FFFFFFF  }
0xc3: {  	(tm) =	ssettm $0x7FFFFFFF  }
tec
execute0_lowered:
.L_overlay_start_1:
0x0: {  	(tag) =	ssettag $0x1  }
0x1: {  	s6 =	rddreg [dreg:$0x0]  }
0x2: {  	s0 =	srdreg.scid;
	s7 =	rddreg [dreg:$0x1]  }
0x3: {  	s2 =	rddreg [dreg:$0x2];
	s3 =	simm.s32 $0x0;
	s5 =	sand.u32 $0x1, s0  }
0x4: {  	s28 =	simm.s32 $0x1;
	s0 =	stileid.u32;
	s9 =	smul.u32 $0xA000, s5  }
0x5: {  	[smem:$0x7FF] =	sst s3;
	s1 =	sshll.u32 s5, $0x4;
	s11 =	smul.u32 $0x14000, s0  }
0x6: {  	s5 =	ssub.s32 $0x2, s5;
	s13 =	smul.u32 $0x5000, s0;
	s4 =	sor.u32 s0, s1  }
0x7: {  	_ =	strace $0x8000004D;
	s30 =	sshrl.u32 s5, $0x1;
	s8 =	smul.u32 $0x4F0, s4  }
0x8: {  	s4 =	sadd.s32 $0xCE00, s7;
	s9 =	sadd.s32 s9, s7;
	s11 =	sshrl.u32 s11, $0x2  }
0x9: {  	s12 =	ssub.s32 s5, s30;
	s15 =	sshrl.u32 s13, $0x3;
	s14 =	sadd.s32 $0x1000, s13  }
0xa: {  	s21 =	sadd.s32 s13, s2;
	s17 =	sadd.s32 $0x2000, s13;
	s31 =	sadd.s32 $0x3000, s13  }
0xb: {  	s13 =	sadd.s32 $0x4000, s13;
	s5 =	sadd.s32 s11, s2;
	s19 =	sadd.s32 $0x16E00, s9  }
0xc: {  	s16 =	sshrl.u32 s14, $0x3;
	s22 =	sadd.s32 s14, s2;
	s18 =	sshrl.u32 s17, $0x3  }
0xd: {  	s23 =	sadd.s32 s17, s2;
	s20 =	sshrl.u32 s31, $0x3;
	s24 =	sadd.s32 s31, s2  }
0xe: {  	s25 =	sshrl.u32 s13, $0x3;
	s26 =	sadd.s32 s13, s2;
	s13 =	simm.s32 $0x4F00  }
0xf: {  	s14 =	simm.s32 $0x2;
	s21 =	sshrl.u32 s21, $0x3;
	s10 =	sadd.s32 s8, s7  }
0x10: {  	s6 =	sadd.s32 s6, s8;
	s8 =	smax.u32 s12, $0x1;
	s9 =	sadd.s32 $0x1000, s5  }
0x11: {  	s11 =	sadd.s32 $0x3000, s5;
	s12 =	sadd.s32 $0x4000, s5;
	s15 =	sadd.s32 s15, s19  }
0x12: {  	s16 =	sadd.s32 s16, s19;
	s17 =	sadd.s32 s18, s19;
	s18 =	sadd.s32 s20, s19  }
0x13: {  	s19 =	sadd.s32 s25, s19;
	s20 =	simm.s32 $0x2780;
	s22 =	sshrl.u32 s22, $0x3  }
0x14: {  	s23 =	sshrl.u32 s23, $0x3;
	s24 =	sshrl.u32 s24, $0x3;
	s25 =	sshrl.u32 s26, $0x3  }
0x15: {  	v0 =	vimm.f32 $0.0e+00;
	s26 =	simm.s32 $0x80;
	s7 =	sadd.s32 $0x3000, s10;
	s10 =	sadd.s32 $0x2000, s5  }
.LBB2_1:
0x16: {  	s29 =	simm.s32 $0x80;
	s30 =	simm.s32 $0x0  }
.LBB2_2:
0x17: {  	p0 =	sne.s32 s29, $0x3F80;
	[tilespmem:s30+$0x4F00] =	vst v0;
	s31 =	smov.u32 s29;
	s29 =	sadd.s32 $0x80, s29  }
.Ltmp0:
0x18: {  	[tilespmem:s30+$0x4F10] =	vst v0;
	(pc) =	sbr.rel @p0 .LBB2_2-.Ltmp0, $2  }
0x19: {  	_ =	sdelay $0x2  }
0x1a: {  	s30 =	sshra.s32 s31, $0x2  }
0x1b: {  	[tilespmem:s30+$0x4F00] =	vst v0  }
0x1c: {  	[tilespmem:s30+$0x4F10] =	vst v0  }
0x1d: {  	[spmem:s5] =	stream.linear.scatter [tilespmem:s13], [sflag:$0x2], $0x1000, $0x38;
	[tilespmem:$0xAF00] =	vst v63  }
0x1e: {  	_ =	swait.ge [sflag:s14], $0x1000  }
0x1f: {  	[sflag:s14] =	ssyncset.done $0x0  }
0x20: {  	[sflag:s14] =	ssyncadd.s32 $0xFFFFF000  }
0x21: {  	[spmem:s9] =	stream.linear.scatter [tilespmem:s13], [sflag:$0x2], $0x1000, $0x38;
	[tilespmem:$0xAF00] =	vst v63  }
0x22: {  	_ =	swait.ge [sflag:s14], $0x1000  }
0x23: {  	[sflag:s14] =	ssyncset.done $0x0  }
0x24: {  	[sflag:s14] =	ssyncadd.s32 $0xFFFFF000  }
0x25: {  	[spmem:s10] =	stream.linear.scatter [tilespmem:s13], [sflag:$0x2], $0x1000, $0x38;
	[tilespmem:$0xAF00] =	vst v63  }
0x26: {  	_ =	swait.ge [sflag:s14], $0x1000  }
0x27: {  	[sflag:s14] =	ssyncset.done $0x0  }
0x28: {  	[sflag:s14] =	ssyncadd.s32 $0xFFFFF000  }
0x29: {  	[spmem:s11] =	stream.linear.scatter [tilespmem:s13], [sflag:$0x2], $0x1000, $0x38;
	[tilespmem:$0xAF00] =	vst v63  }
0x2a: {  	_ =	swait.ge [sflag:s14], $0x1000  }
0x2b: {  	[sflag:s14] =	ssyncset.done $0x0  }
0x2c: {  	[sflag:s14] =	ssyncadd.s32 $0xFFFFF000  }
0x2d: {  	[spmem:s12] =	stream.linear.scatter [tilespmem:s13], [sflag:$0x2], $0x1000, $0x38;
	[tilespmem:$0xAF00] =	vst v63  }
0x2e: {  	_ =	swait.ge [sflag:s14], $0x1000  }
0x2f: {  	[sflag:s14] =	ssyncset.done $0x0  }
0x30: {  	[sflag:s14] =	ssyncadd.s32 $0xFFFFF000  }
0x31: {  	s29 =	simm.s32 $0x0;
	[bflag:$0x0] =	sbarrier.arrive $0xFFFF  }
0x32: {  	[tilespmem:s29], [sflag:$0x2] =	stream.linear.gather [hbm4b:s6+s29], $0x2780, $0x38;
	[tilespmem:$0xAF00] =	vst v63  }
0x33: {  	_ =	swait.ge [sflag:s14], $0x2780  }
0x34: {  	[sflag:s14] =	ssyncset.done $0x0  }
0x35: {  	[sflag:s14] =	ssyncadd.s32 $0xFFFFD880  }
0x36: {  	[tilespmem:s20], [sflag:$0x2] =	stream.linear.gather [hbm4b:s7+s29], $0x2780, $0x38;
	[tilespmem:$0xAF00] =	vst v63  }
0x37: {  	_ =	swait.ge [sflag:s14], $0x2780  }
0x38: {  	[sflag:s14] =	ssyncset.done $0x0  }
0x39: {  	s29 =	simm.s32 $0x0;
	[sflag:s14] =	ssyncadd.s32 $0xFFFFD880  }
0x3a: {  	[tilespmem:s13], [sflag:$0x1] =	stream.indirect.gather [hbm4b:s4+s26], $0x20, s29, s26, $0xb8;
	[tilespmem:$0xAF00] =	vst v63  }
0x3b: {  	_ =	swait.ge [sflag:s28], $0x1000  }
0x3c: {  	[sflag:s28] =	ssyncset.done $0x0  }
0x3d: {  	s29 =	simm.s32 $0x2780;
	[sflag:s28] =	ssyncadd.s32 $0xFFFFF000  }
0x3e: {  	[spmem:s2] =	stream.indirect.scatter.add.f32 [tilespmem:s13], [sflag:$0x2], $0x20, s29, s26, $0xb8;
	[tilespmem:$0xAF00] =	vst v63  }
0x3f: {  	_ =	swait.ge [sflag:s14], $0x1000  }
0x40: {  	s30 =	simm.s32 $0x400;
	s29 =	simm.s32 $0x200;
	[sflag:s14] =	ssyncset.done $0x0  }
.LBB2_4:
0x41: {  	s31 =	sshra.s32 s29, $0x2  }
0x42: {  	[sflag:s14] =	ssyncadd.s32 $0xFFFFF000;
	s29 =	smov.u32 s30;
	s1 =	sadd.s32 $0x200, s30  }
0x43: {  	[tilespmem:s13], [sflag:$0x1] =	stream.indirect.gather [hbm4b:s4+s26], $0x20, s31, s26, $0xb8;
	[tilespmem:$0xAF00] =	vst v63  }
0x44: {  	p0 =	sne.s32 s30, $0x9C00;
	_ =	swait.ge [sflag:s28], $0x1000  }
.Ltmp1:
0x45: {  	[sflag:s28] =	ssyncset.done $0x0;
	(pc) =	sbr.rel @p0 .LBB2_4-.Ltmp1, $4  }
0x46: {  	s30 =	sadd.s32 $0x2780, s31;
	[sflag:s28] =	ssyncadd.s32 $0xFFFFF000  }
0x47: {  	[spmem:s2] =	stream.indirect.scatter.add.f32 [tilespmem:s13], [sflag:$0x2], $0x20, s30, s26, $0xb8;
	[tilespmem:$0xAF00] =	vst v63  }
0x48: {  	_ =	swait.ge [sflag:s14], $0x1000  }
0x49: {  	s30 =	smov.u32 s1;
	[sflag:s14] =	ssyncset.done $0x0  }
0x4a: {  	s1 =	sshra.s32 s29, $0x2;
	[sflag:s14] =	ssyncadd.s32 $0xFFFFF000  }
0x4b: {  	[tilespmem:s13], [sflag:$0x1] =	stream.indirect.gather [hbm4b:s4+s26], $0x20, s1, s26, $0xb8;
	[tilespmem:$0xAF00] =	vst v63  }
0x4c: {  	_ =	swait.ge [sflag:s28], $0x1000  }
0x4d: {  	[sflag:s28] =	ssyncset.done $0x0  }
0x4e: {  	s1 =	sadd.s32 $0x2780, s1;
	[sflag:s28] =	ssyncadd.s32 $0xFFFFF000  }
0x4f: {  	[spmem:s2] =	stream.indirect.scatter.add.f32 [tilespmem:s13], [sflag:$0x2], $0x20, s1, s26, $0xb8;
	[tilespmem:$0xAF00] =	vst v63  }
0x50: {  	_ =	swait.ge [sflag:s14], $0x1000  }
0x51: {  	[sflag:s14] =	ssyncset.done $0x0  }
0x52: {  	s31 =	sshll.u32 s0, $0x6;
	[sflag:s14] =	ssyncadd.s32 $0xFFFFF000  }
0x53: {  	s1 =	sor.u32 $0x1C02, s31;
	[bflag:$0x0] =	sbarrier.arrive $0xFFFF  }
0x54: {  	[hbm:s15], [sflag:s1] =	dma.local [spmem:s21], $0x200  }
0x55: {  	_ =	swait.ge [sflag:s14], $0x200  }
0x56: {  	[sflag:s14] =	ssyncset.done $0x0  }
0x57: {  	[sflag:s14] =	ssyncadd.s32 $0xFFFFFE00  }
0x58: {  	[hbm:s16], [sflag:s1] =	dma.local [spmem:s22], $0x200  }
0x59: {  	_ =	swait.ge [sflag:s14], $0x200  }
0x5a: {  	[sflag:s14] =	ssyncset.done $0x0  }
0x5b: {  	[sflag:s14] =	ssyncadd.s32 $0xFFFFFE00  }
0x5c: {  	[hbm:s17], [sflag:s1] =	dma.local [spmem:s23], $0x200  }
0x5d: {  	_ =	swait.ge [sflag:s14], $0x200  }
0x5e: {  	[sflag:s14] =	ssyncset.done $0x0  }
0x5f: {  	[sflag:s14] =	ssyncadd.s32 $0xFFFFFE00  }
0x60: {  	[hbm:s18], [sflag:s1] =	dma.local [spmem:s24], $0x200  }
0x61: {  	s3 =	sadd.s32 $0x1, s3;
	_ =	swait.ge [sflag:s14], $0x200  }
0x62: {  	p0 =	sne.s32 s3, s8;
	[sflag:s14] =	ssyncset.done $0x0  }
.Ltmp2:
0x63: {  	[sflag:s14] =	ssyncadd.s32 $0xFFFFFE00;
	(pc) =	sbr.rel @p0 .LBB2_1-.Ltmp2, $4  }
0x64: {  	[hbm:s19], [sflag:s1] =	dma.local [spmem:s25], $0x200  }
0x65: {  	_ =	swait.ge [sflag:s14], $0x200  }
0x66: {  	[sflag:s14] =	ssyncset.done $0x0  }
0x67: {  	[sflag:s14] =	ssyncadd.s32 $0xFFFFFE00  }
0x68: {  	_ =	sfence.sel $0x180000  }
0x69: {  	[bflag:$0x0] =	sbarrier.arrive $0xFFFF  }
0x6a: {  	_ =	strace $0x9000004D  }
0x6b: {  	[bflag:$0x2] =	sbarrier.arrive $0xFFFF  }
0x6c: {  	p0 =	sne.s32 s0, $0x0;
	s0 =	rddreg [dreg:$0x3]  }
0x6d: {  	s0 =	sadd.s32 @!p0 $0x100000, s0  }
0x6e: {  	[sflag:s0] =	ssyncadd.tile.s32 @!p0 $0x1;
	_ =	shalt  }
.Lfunc_end2:
_tile_overlayer_lowered:
.L_overlay_start_2:
0x6f: {  	(tag) =	ssettag $0x2  }
0x70: {  	s0 =	rddreg [dreg:$0x0];
	s2 =	stileid.u32  }
0x71: {  	s1 =	rddreg [dreg:$0x1];
	p0 =	sne.s32 s2, $0x0  }
0x72: {  	s3 =	rddreg [dreg:$0x2];
	[bflag:$0x3] =	sbarrier.arrive $0xFFFF;
	s2 =	simm.s32 @!p0 $0x1C02  }
0x73: {  	[timem:s3], [sflag:s2] =	dma.local @!p0 [hbm:s0], s1  }
0x74: {  	s0 =	simm.s32 @!p0 $0x2  }
0x75: {  	_ =	swait.ge @!p0 [sflag:s0], s1  }
0x76: {  	s1 =	ssub.s32 @!p0 $0x0, s1;
	[sflag:s0] =	ssyncset.done @!p0 $0x0  }
0x77: {  	[sflag:s0] =	ssyncadd.s32 @!p0 s1  }
0x78: {  	[bflag:$0x3] =	sbarrier.arrive $0xFFFF  }
0x79: {  	_ =	shalt  }

// kernel: kernel.8.cloned.1.call-start
scs
__scs_entry_jumppad:
0x0: {  	(pc) =	sbr.rel $0x88, $3  }
0x1: {  	(tag) =	ssettag $0x0;
	lr =	simm.s32 $0x1  }
0x2: {  	[smem:$0x3F98] =	sst lr;
	_ =	strace $0xD0000000  }
0x3: {  	_ = 	snop  }
0x4: {  	_ = 	snop  }
0x5: {  	_ = 	snop  }
0x6: {  	_ = 	snop  }
0x7: {  	_ = 	snop  }
__scs_overlays_trampoline_lowered:
0x8: {  	[smem:$0x3FA7] =	sst s0  }
0x9: {  	[smem:$0x3FA8] =	sst s1  }
0xa: {  	[smem:$0x3FA9] =	sst s2  }
0xb: {  	[smem:$0x3FAA] =	sst s3  }
0xc: {  	[smem:$0x3FAB] =	sst s4  }
0xd: {  	[smem:$0x3FAC] =	sst s5  }
0xe: {  	[smem:$0x3FAD] =	sst s6  }
0xf: {  	[smem:$0x3FAE] =	sst s7  }
0x10: {  	[smem:$0x3FAF] =	sst s8  }
0x11: {  	[smem:$0x3FB0] =	sst s9;
	s0 =	simm.s32 @!p0 $0x0  }
0x12: {  	s1 =	sld [smem:$0x3F96];
	s0 =	simm.s32 @p0 $0x1  }
0x13: {  	[smem:$0x3FB1] =	sst s0;
	s0 =	simm.s32 @!p1 $0x0  }
0x14: {  	s2 =	sld [smem:$0x3F95];
	s0 =	simm.s32 @p1 $0x1  }
0x15: {  	[smem:$0x3FB2] =	sst s0;
	s0 =	simm.s32 @!p2 $0x0  }
0x16: {  	s3 =	sld [smem:$0x3FDB];
	s0 =	simm.s32 @p2 $0x1  }
0x17: {  	s4 =	simm.s32 $0x1BF5;
	[smem:$0x3FB4] =	sst s0  }
0x18: {  	s0 =	sld [smem:$0x3F97];
	_ =	swait.ge [sflag:s4], $0x0  }
0x19: {  	s7 =	sld [smem:$0x3F98]  }
0x1a: {  	s8 =	sadd.s32 $0xFFFFE003, lr  }
0x1b: {  	s9 =	sadd.s32 $0xFFFFFEF7, lr;
	s5 =	simm.s32 $0xFFFFFFFF;
	p2 =	slt.u32 s8, $0xFFFFF086  }
0x1c: {  	p1 =	slt.u32 s9, $0xF7A;
	s5 =	simm.s32 @!p2 $0x0  }
0x1d: {  	s5 =	simm.s32 @p1 $0x1;
	p0 =	seq.s32 s7, s2  }
0x1e: {  	s7 =	smul.u32 @!p0 $0xF7A, s2;
	p2 =	seq.s32 @!p0 s5, $0x0  }
0x1f: {  	s9 =	smul.u32 $0xF7A, s1;
	s8 =	simm.s32 @!p0 $0x1BF5;
	p2 =	por !p2, p0  }
0x20: {  	[sflag:s8] =	ssyncset.s32 @!p0 $0xFFFFF086;
	s6 =	sadd.s32 @!p0 s3, s7;
	s7 =	simm.s32 @!p0 $0x108  }
0x21: {  	s3 =	sadd.s32 s3, s9;
	s6 =	sadd.s32 @!p0 $0x88, s6;
	s7 =	simm.s32 @p2 $0x1082  }
0x22: {  	[simem:s7], [sflag:s8] =	dma.local @!p0 [hbm:s6], $0xF7A  }
0x23: {  	s9 =	sor.u32 $0xD0000000, s2;
	s6 =	simm.s32 $0x108;
	_ =	swait.ge @!p0 [sflag:s8], $0x0  }
0x24: {  	s3 =	sadd.s32 $0x88, s3;
	s6 =	simm.s32 @!p1 $0x1082;
	[sflag:s4] =	ssyncset.s32 $0xFFFFF086  }
0x25: {  	[simem:s6], [sflag:s4] =	dma.local [hbm:s3], $0xF7A  }
0x26: {  	[smem:$0x3F98] =	sst s1;
	(tag) =	ssettag s2;
	_ =	strace s9  }
0x27: {  	s1 =	sld [smem:$0x3FA8]  }
0x28: {  	s2 =	sld [smem:$0x3FA9]  }
0x29: {  	s4 =	sld [smem:$0x3FAB]  }
0x2a: {  	p0 =	seq.s32 s5, $0x0;
	s5 =	sld [smem:$0x3FAC]  }
0x2b: {  	s6 =	sld [smem:$0x3FAD]  }
0x2c: {  	s7 =	sld [smem:$0x3FAE]  }
0x2d: {  	s3 =	simm.s32 $0x108;
	s8 =	sld [smem:$0x3FAF]  }
0x2e: {  	s3 =	simm.s32 @!p0 $0x1082;
	s9 =	sld [smem:$0x3FB0]  }
0x2f: {  	lr =	sadd.s32 s0, s3;
	s0 =	sld [smem:$0x3FA7]  }
0x30: {  	s3 =	sld [smem:$0x3FAA]  }
0x31: {  	[smem:$0x3FB3] =	sst s10  }
0x32: {  	s10 =	sld [smem:$0x3FB1];
	_ =	sdelay $0x3  }
0x33: {  	p0 =	seq.s32 s10, $0x1;
	s10 =	sld [smem:$0x3FB3];
	_ =	sdelay $0x3  }
0x34: {  	[smem:$0x3FB3] =	sst s10  }
0x35: {  	s10 =	sld [smem:$0x3FB2];
	_ =	sdelay $0x3  }
0x36: {  	p1 =	seq.s32 s10, $0x1;
	s10 =	sld [smem:$0x3FB3];
	_ =	sdelay $0x3  }
0x37: {  	[smem:$0x3FB3] =	sst s10  }
0x38: {  	s10 =	sld [smem:$0x3FB4]  }
0x39: {  	_ = 	snop;
	(pc) =	sbr.ind lr, $3  }
0x3a: {  	_ = 	snop  }
0x3b: {  	_ = 	snop  }
0x3c: {  	p2 =	seq.s32 s10, $0x1;
	s10 =	sld [smem:$0x3FB3]  }
0x3d: {  	_ =	shalt  }
0x3e: {  	_ =	shalt  }
0x3f: {  	_ =	shalt  }
0x40: {  	_ =	shalt  }
0x41: {  	_ =	shalt  }
0x42: {  	_ =	shalt  }
0x43: {  	_ =	shalt  }
0x44: {  	_ =	shalt  }
0x45: {  	_ =	shalt  }
0x46: {  	_ =	shalt  }
0x47: {  	_ =	shalt  }
0x48: {  	_ =	shalt  }
0x49: {  	_ =	shalt  }
0x4a: {  	_ =	shalt  }
0x4b: {  	_ =	shalt  }
0x4c: {  	_ =	shalt  }
0x4d: {  	_ =	shalt  }
0x4e: {  	_ =	shalt  }
0x4f: {  	_ =	shalt  }
0x50: {  	_ =	shalt  }
0x51: {  	_ =	shalt  }
0x52: {  	_ =	shalt  }
0x53: {  	_ =	shalt  }
0x54: {  	_ =	shalt  }
0x55: {  	_ =	shalt  }
0x56: {  	_ =	shalt  }
0x57: {  	_ =	shalt  }
0x58: {  	_ =	shalt  }
0x59: {  	_ =	shalt  }
0x5a: {  	_ =	shalt  }
0x5b: {  	_ =	shalt  }
0x5c: {  	_ =	shalt  }
0x5d: {  	_ =	shalt  }
0x5e: {  	_ =	shalt  }
0x5f: {  	_ =	shalt  }
0x60: {  	_ =	shalt  }
0x61: {  	_ =	shalt  }
0x62: {  	_ =	shalt  }
0x63: {  	_ =	shalt  }
0x64: {  	_ =	shalt  }
0x65: {  	_ =	shalt  }
0x66: {  	_ =	shalt  }
0x67: {  	_ =	shalt  }
0x68: {  	_ =	shalt  }
0x69: {  	_ =	shalt  }
0x6a: {  	_ =	shalt  }
0x6b: {  	_ =	shalt  }
0x6c: {  	_ =	shalt  }
0x6d: {  	_ =	shalt  }
0x6e: {  	_ =	shalt  }
0x6f: {  	_ =	shalt  }
0x70: {  	_ =	shalt  }
0x71: {  	_ =	shalt  }
0x72: {  	_ =	shalt  }
0x73: {  	_ =	shalt  }
0x74: {  	_ =	shalt  }
0x75: {  	_ =	shalt  }
0x76: {  	_ =	shalt  }
0x77: {  	_ =	shalt  }
0x78: {  	_ =	shalt  }
0x79: {  	_ =	shalt  }
0x7a: {  	_ =	shalt  }
0x7b: {  	_ =	shalt  }
0x7c: {  	_ =	shalt  }
0x7d: {  	_ =	shalt  }
0x7e: {  	_ =	shalt  }
0x7f: {  	_ =	shalt  }
0x80: {  	_ =	shalt  }
0x81: {  	_ =	shalt  }
0x82: {  	_ =	shalt  }
0x83: {  	_ =	shalt  }
0x84: {  	_ =	shalt  }
0x85: {  	_ =	shalt  }
0x86: {  	_ =	shalt  }
0x87: {  	_ =	shalt  }
.Lfunc_end0:
.L_simem_size_0:
called_computation_lowered:
.L_overlay_start_0:
0x88: {  	s2 =	sld [smem:$0x3FD9]  }
0x89: {  	s3 =	sld [smem:$0x3FFE];
	_ =	sdelay $0x1  }
0x8a: {  	s1 =	srdreg.scid  }
0x8b: {  	s0 =	sand.u32 $0x1, s1  }
0x8c: {  	s16 =	sshll.u32 s0, $0xA;
	s2 =	sadd.s32 s3, s2  }
0x8d: {  	s2 =	sadd.s32 s2, s16  }
0x8e: {  	[smem:$0x3FBF] =	sst s2  }
0x8f: {  	_ = 	snop  }
0x90: {  	(tm) =	ssettm $0x1  }
0x91: {  	s17 =	sld [smem:$0x3FFB];
	_ =	sdelay $0x3  }
0x92: {  	_ =	strace s17  }
0x93: {  	s2 =	sld [smem:$0x3FFC];
	_ =	sdelay $0x3  }
0x94: {  	_ =	strace s2  }
0x95: {  	s2 =	sld [smem:$0x3FFD];
	_ =	sdelay $0x3  }
0x96: {  	_ =	strace s2  }
0x97: {  	_ =	strace $0x8FFFFFFF  }
0x98: {  	s18 =	sld [smem:$0x3FDB];
	_ =	sdelay $0x1  }
0x99: {  	s19 =	simm.s32 $_scs_section_size  }
0x9a: {  	s4 =	simm.s32 $_size__tile_overlayer_lowered;
	s5 =	simm.s32 $_tile_overlayer_lowered  }
0x9b: {  	s22 =	simm.s32 $0x1BFF;
	s21 =	sshll.u32 s5, $0x1;
	s2 =	sadd.s32 s19, s18  }
0x9c: {  	s6 =	simm.s32 $0x0;
	s20 =	sshll.u32 s4, $0x1;
	s4 =	sadd.s32 s21, s2  }
0x9d: {  	[timem:s6], [sflag:s22] =	dma.local [hbm:s4], s20  }
0x9e: {  	_ =	swait.ge [sflag:s22], s20  }
0x9f: {  	s3 =	ssub.s32 $0x0, s20;
	[sflag:s22] =	ssyncset.done $0x0  }
0xa0: {  	[sflag:s22] =	ssyncadd.s32 s3;
	_ =	sdelay $0x1  }
0xa1: {  	s23 =	simm.s32 $0x1B8B  }
0xa2: {  	_ =	swait.ge [sflag:s23], $0x1  }
0xa3: {  	[sflag:s23] =	ssyncset.done $0x0  }
0xa4: {  	s25 =	simm.s32 $0x1B8E;
	s24 =	sld [smem:$0x3FFE];
	[sflag:s23] =	ssyncadd.s32 $0xFFFFFFFF  }
0xa5: {  	s26 =	simm.s32 $execute0_lowered;
	[smem:$0x3FD2] =	sst s25  }
0xa6: {  	s4 =	sshll.u32 s26, $0x1;
	_ =	strace $0x80000046;
	[dreg:$0x1] =	wrdreg $0xFFFFFFFF  }
0xa7: {  	s28 =	simm.s32 $_size_execute0_lowered;
	s2 =	sadd.s32 s2, s4;
	[dreg:$0x0] =	wrdreg $0x0  }
0xa8: {  	s4 =	sshll.u32 s28, $0x1;
	[dreg:$0x2] =	wrdreg s2  }
0xa9: {  	[dreg:$0x3] =	wrdreg s4  }
0xaa: {  	[dreg:$0x4] =	wrdreg $0xC0  }
0xab: {  	_ =	task [dreg:s6], $0x5FFFF  }
0xac: {  	[dreg:$0x1] =	wrdreg $0xFFFFFFFF  }
0xad: {  	[dreg:$0x0] =	wrdreg $0x60  }
0xae: {  	[dreg:$0x2] =	wrdreg s24  }
0xaf: {  	[dreg:$0x3] =	wrdreg $0x68000  }
0xb0: {  	[dreg:$0x4] =	wrdreg $0x9  }
0xb1: {  	_ =	task.clear_ibuf [dreg:s6], $0x5FFFF;
	_ =	strace $0x90000046  }
0xb2: {  	s29 =	simm.s32 $0x9;
	_ =	strace $0x80000048  }
0xb3: {  	_ =	swait.ge [sflag:s29], $0x1  }
0xb4: {  	[sflag:s29] =	ssyncadd.s32 $0xFFFFFFFF  }
0xb5: {  	_ =	strace $0x90000048  }
0xb6: {  	_ =	sfence  }
0xb7: {  	s30 =	sld [smem:$0x0];
	_ =	sdelay $0x2  }
0xb8: {  	s31 =	sshll.u32 s1, $0xD;
	s1 =	sshrl.u32 s1, $0x2  }
0xb9: {  	s3 =	sand.u32 $0x4000, s31;
	s1 =	sadd.s32 s1, s30  }
0xba: {  	s0 =	sor.u32 s3, s0;
	s1 =	sshll.u32 s1, $0x11  }
0xbb: {  	s0 =	sor.u32 s1, s0  }
0xbc: {  	s0 =	sadd.s32 $0x8F2B, s0  }
0xbd: {  	[sflag:s0] =	ssyncadd.remote.s32 $0x1  }
0xbe: {  	_ =	sfence.sel $0xFFFF  }
0xbf: {  	[dreg:$0x0] =	wrdreg $0xFFFFFFFF;
	(pc) =	sbr.abs _section_cstart, $3  }
0xc0: {  	[dreg:$0x1] =	wrdreg $0xFFFFFFFF  }
0xc1: {  	_ =	task.clear_ibuf [dreg:s6], $0x2FFFF;
	_ =	strace $0x9FFFFFFF  }
0xc2: {  	(tm) =	ssettm $0x7FFFFFFF  }
0xc3: {  	_ =	shalt  }
tec
execute0_lowered:
.L_overlay_start_1:
0x0: {  	(tag) =	ssettag $0x1  }
0x1: {  	s0 =	srdreg.scid  }
0x2: {  	s5 =	rddreg [dreg:$0x0];
	s4 =	sand.u32 $0x1, s0  }
0x3: {  	s0 =	stileid.u32;
	s7 =	smul.u32 $0x28000, s4  }
0x4: {  	s2 =	rddreg [dreg:$0x1];
	s8 =	smul.u32 $0x50000, s0  }
0x5: {  	s3 =	simm.s32 $0x0;
	s1 =	sshll.u32 s4, $0x4;
	s11 =	smul.u32 $0x280, s0  }
0x6: {  	s4 =	ssub.s32 $0x2, s4;
	s14 =	smul.u32 $0x2800, s0;
	s1 =	sor.u32 s0, s1  }
0x7: {  	[smem:$0x7FF] =	sst s3;
	s26 =	sshrl.u32 s4, $0x1;
	s6 =	smul.u32 $0x500, s1  }
0x8: {  	s1 =	rddreg [dreg:$0x2];
	_ =	strace $0x80000047;
	s7 =	sadd.s32 s7, s5  }
0x9: {  	s8 =	sshrl.u32 s8, $0x2;
	s9 =	ssub.s32 s4, s26;
	s12 =	sadd.s32 $0x80, s11  }
0xa: {  	s28 =	sadd.s32 $0x100, s11;
	s17 =	sadd.s32 $0x180, s11;
	s11 =	sadd.s32 $0x200, s11  }
0xb: {  	s4 =	sadd.s32 s8, s2;
	s21 =	sadd.s32 $0x16E00, s7;
	s13 =	sshll.u32 s12, $0x7  }
0xc: {  	s15 =	sshll.u32 s12, $0x4;
	s29 =	sshll.u32 s28, $0x7;
	s30 =	sshll.u32 s17, $0x7  }
0xd: {  	s19 =	sshll.u32 s28, $0x4;
	s31 =	sshll.u32 s11, $0x7;
	s22 =	sshll.u32 s17, $0x4  }
0xe: {  	s24 =	sshll.u32 s11, $0x4;
	s11 =	simm.s32 $0x2800;
	s12 =	simm.s32 $0x1  }
0xf: {  	s6 =	sadd.s32 s6, s5;
	s7 =	sadd.s32 $0x4000, s4;
	s8 =	sadd.s32 $0x8000, s4  }
0x10: {  	s10 =	sadd.s32 $0x10000, s4;
	s16 =	sadd.s32 s13, s2;
	s18 =	sadd.s32 s29, s2  }
0x11: {  	s20 =	sadd.s32 s30, s2;
	s23 =	sadd.s32 s31, s2;
	s13 =	simm.s32 $0x80  }
0x12: {  	s14 =	sadd.s32 s14, s21;
	s15 =	sadd.s32 s15, s21;
	s17 =	sadd.s32 s19, s21  }
0x13: {  	s19 =	sadd.s32 s22, s21;
	s21 =	sadd.s32 s24, s21;
	s5 =	sadd.s32 $0xCE00, s6  }
0x14: {  	s6 =	smax.u32 s9, $0x1;
	s9 =	sadd.s32 $0xC000, s4;
	s16 =	sshrl.u32 s16, $0x3  }
0x15: {  	v0 =	vimm.f32 $0.0e+00;
	v1 =	vimm.f32 $1.000000000e+00;
	s18 =	sshrl.u32 s18, $0x3;
	s20 =	sshrl.u32 s20, $0x3;
	s22 =	sshrl.u32 s23, $0x3  }
.LBB2_1:
0x16: {  	s23 =	simm.s32 $0x200;
	s24 =	simm.s32 $0x0  }
.LBB2_2:
0x17: {  	p0 =	sne.s32 s23, $0xFE00;
	[tilespmem:s24+$0x2800] =	vst v0;
	s24 =	smov.u32 s23;
	s23 =	sadd.s32 $0x200, s23  }
.Ltmp0:
0x18: {  	(pc) =	sbr.rel @p0 .LBB2_2-.Ltmp0, $2  }
0x19: {  	_ =	sdelay $0x2  }
0x1a: {  	s24 =	sshra.s32 s24, $0x2  }
0x1b: {  	[tilespmem:s24+$0x2800] =	vst v0  }
0x1c: {  	[spmem:s4] =	stream.linear.scatter [tilespmem:s11], [sflag:$0x1], $0x4000, $0x38;
	[tilespmem:$0x9000] =	vst v63  }
0x1d: {  	_ =	swait.ge [sflag:s12], $0x4000  }
0x1e: {  	[sflag:s12] =	ssyncset.done $0x0  }
0x1f: {  	[sflag:s12] =	ssyncadd.s32 $0xFFFFC000  }
0x20: {  	[spmem:s7] =	stream.linear.scatter [tilespmem:s11], [sflag:$0x1], $0x4000, $0x38;
	[tilespmem:$0x9000] =	vst v63  }
0x21: {  	_ =	swait.ge [sflag:s12], $0x4000  }
0x22: {  	[sflag:s12] =	ssyncset.done $0x0  }
0x23: {  	[sflag:s12] =	ssyncadd.s32 $0xFFFFC000  }
0x24: {  	[spmem:s8] =	stream.linear.scatter [tilespmem:s11], [sflag:$0x1], $0x4000, $0x38;
	[tilespmem:$0x9000] =	vst v63  }
0x25: {  	_ =	swait.ge [sflag:s12], $0x4000  }
0x26: {  	[sflag:s12] =	ssyncset.done $0x0  }
0x27: {  	[sflag:s12] =	ssyncadd.s32 $0xFFFFC000  }
0x28: {  	[spmem:s9] =	stream.linear.scatter [tilespmem:s11], [sflag:$0x1], $0x4000, $0x38;
	[tilespmem:$0x9000] =	vst v63  }
0x29: {  	_ =	swait.ge [sflag:s12], $0x4000  }
0x2a: {  	[sflag:s12] =	ssyncset.done $0x0  }
0x2b: {  	[sflag:s12] =	ssyncadd.s32 $0xFFFFC000  }
0x2c: {  	[spmem:s10] =	stream.linear.scatter [tilespmem:s11], [sflag:$0x1], $0x4000, $0x38;
	[tilespmem:$0x9000] =	vst v63  }
0x2d: {  	_ =	swait.ge [sflag:s12], $0x4000  }
0x2e: {  	[sflag:s12] =	ssyncset.done $0x0  }
0x2f: {  	s23 =	simm.s32 $0x200;
	s24 =	simm.s32 $0x0;
	[sflag:s12] =	ssyncadd.s32 $0xFFFFC000  }
.LBB2_4:
0x30: {  	p0 =	sne.s32 s23, $0xFE00;
	[tilespmem:s24+$0x2800] =	vst v1;
	s24 =	smov.u32 s23;
	s23 =	sadd.s32 $0x200, s23  }
.Ltmp1:
0x31: {  	(pc) =	sbr.rel @p0 .LBB2_4-.Ltmp1, $2  }
0x32: {  	_ =	sdelay $0x2  }
0x33: {  	s24 =	sshra.s32 s24, $0x2  }
0x34: {  	[tilespmem:s24+$0x2800] =	vst v1  }
0x35: {  	s23 =	simm.s32 $0x0;
	[bflag:$0x0] =	sbarrier.arrive $0xFFFF  }
0x36: {  	[tilespmem:s23], [sflag:$0x1] =	stream.linear.gather [hbm4b:s5+s23], $0x2780, $0x38;
	[tilespmem:$0x9000] =	vst v63  }
0x37: {  	_ =	swait.ge [sflag:s12], $0x2780  }
0x38: {  	[sflag:s12] =	ssyncset.done $0x0  }
0x39: {  	s31 =	simm.s32 $0x0;
	[sflag:s12] =	ssyncadd.s32 $0xFFFFD880  }
0x3a: {  	[spmem:s2] =	stream.indirect.scatter.add.f32 [tilespmem:s11], [sflag:$0x1], $0x10, s31, s13, $0xb8;
	[tilespmem:$0x9000] =	vst v63  }
0x3b: {  	_ =	swait.ge [sflag:s12], $0x800  }
0x3c: {  	s23 =	simm.s32 $0x200;
	[sflag:s12] =	ssyncset.done $0x0  }
.LBB2_6:
0x3d: {  	s24 =	sshra.s32 s23, $0x2;
	[sflag:s12] =	ssyncadd.s32 $0xFFFFF800;
	p0 =	sne.s32 s23, $0x9C00  }
0x3e: {  	[spmem:s2] =	stream.indirect.scatter.add.f32 [tilespmem:s11], [sflag:$0x1], $0x10, s24, s13, $0xb8;
	[tilespmem:$0x9000] =	vst v63  }
.Ltmp2:
0x3f: {  	_ = 	snop;
	(pc) =	sbr.rel @p0 .LBB2_6-.Ltmp2, $4  }
0x40: {  	_ = 	snop  }
0x41: {  	s23 =	sadd.s32 $0x200, s23  }
0x42: {  	_ =	swait.ge [sflag:s12], $0x800  }
0x43: {  	[sflag:s12] =	ssyncset.done $0x0  }
0x44: {  	[sflag:s12] =	ssyncadd.s32 $0xFFFFF800;
	s23 =	sshll.u32 s0, $0x6  }
0x45: {  	s24 =	sshrl.u32 s4, $0x3;
	[bflag:$0x0] =	sbarrier.arrive $0xFFFF;
	s23 =	sor.u32 $0x1C01, s23  }
0x46: {  	[hbm:s14], [sflag:s23] =	dma.local [spmem:s24], $0x800  }
0x47: {  	_ =	swait.ge [sflag:s12], $0x800  }
0x48: {  	[sflag:s12] =	ssyncset.done $0x0  }
0x49: {  	[sflag:s12] =	ssyncadd.s32 $0xFFFFF800  }
0x4a: {  	[hbm:s15], [sflag:s23] =	dma.local [spmem:s16], $0x800  }
0x4b: {  	_ =	swait.ge [sflag:s12], $0x800  }
0x4c: {  	[sflag:s12] =	ssyncset.done $0x0  }
0x4d: {  	[sflag:s12] =	ssyncadd.s32 $0xFFFFF800  }
0x4e: {  	[hbm:s17], [sflag:s23] =	dma.local [spmem:s18], $0x800  }
0x4f: {  	_ =	swait.ge [sflag:s12], $0x800  }
0x50: {  	[sflag:s12] =	ssyncset.done $0x0  }
0x51: {  	[sflag:s12] =	ssyncadd.s32 $0xFFFFF800  }
0x52: {  	[hbm:s19], [sflag:s23] =	dma.local [spmem:s20], $0x800  }
0x53: {  	s3 =	sadd.s32 $0x1, s3;
	_ =	swait.ge [sflag:s12], $0x800  }
0x54: {  	p0 =	sne.s32 s3, s6;
	[sflag:s12] =	ssyncset.done $0x0  }
.Ltmp3:
0x55: {  	[sflag:s12] =	ssyncadd.s32 $0xFFFFF800;
	(pc) =	sbr.rel @p0 .LBB2_1-.Ltmp3, $4  }
0x56: {  	[hbm:s21], [sflag:s23] =	dma.local [spmem:s22], $0x800  }
0x57: {  	_ =	swait.ge [sflag:s12], $0x800  }
0x58: {  	[sflag:s12] =	ssyncset.done $0x0  }
0x59: {  	[sflag:s12] =	ssyncadd.s32 $0xFFFFF800  }
0x5a: {  	_ =	sfence.sel $0x180000  }
0x5b: {  	[bflag:$0x0] =	sbarrier.arrive $0xFFFF  }
0x5c: {  	p0 =	sne.s32 s0, $0x0;
	_ =	strace $0x90000047  }
0x5d: {  	s0 =	sadd.s32 @!p0 $0x100000, s1;
	[bflag:$0x2] =	sbarrier.arrive $0xFFFF  }
0x5e: {  	[sflag:s0] =	ssyncadd.tile.s32 @!p0 $0x1;
	_ =	shalt  }
.Lfunc_end2:
_tile_overlayer_lowered:
.L_overlay_start_2:
0x5f: {  	(tag) =	ssettag $0x2  }
0x60: {  	s0 =	rddreg [dreg:$0x0];
	s2 =	stileid.u32  }
0x61: {  	s1 =	rddreg [dreg:$0x1];
	p0 =	sne.s32 s2, $0x0  }
0x62: {  	s3 =	rddreg [dreg:$0x2];
	[bflag:$0x3] =	sbarrier.arrive $0xFFFF;
	s2 =	simm.s32 @!p0 $0x1C01  }
0x63: {  	[timem:s3], [sflag:s2] =	dma.local @!p0 [hbm:s0], s1  }
0x64: {  	s0 =	simm.s32 @!p0 $0x1  }
0x65: {  	_ =	swait.ge @!p0 [sflag:s0], s1  }
0x66: {  	s1 =	ssub.s32 @!p0 $0x0, s1;
	[sflag:s0] =	ssyncset.done @!p0 $0x0  }
0x67: {  	[sflag:s0] =	ssyncadd.s32 @!p0 s1  }
0x68: {  	[bflag:$0x3] =	sbarrier.arrive $0xFFFF  }
0x69: {  	_ =	shalt  }

</sc_bundles>
